<compile_context>
chip_gen: v7x
topology: tpu7x:2x2x1
jax: 0.10.2.dev20260603
libtpu: 0.0.44.dev20260713+nightly
codegen_flags: <defaults>
</compile_context>

<pallas_src>
import functools

import jax
import jax.numpy as jnp
from jax import lax
from jax.experimental import pallas as pl
from jax.experimental.pallas import tpu as pltpu
from jax.experimental.pallas import tpu_sc as plsc

NC = 2
NS = 16
LANES = 16
K_EDGE = 128


def _gelu(h):
    return 0.5 * h * (1.0 + lax.erf(h * 0.7071067811865476))


def _layernorm(h, scale, bias, eps=1e-5):
    mu = jnp.mean(h, axis=-1, keepdims=True)
    var = jnp.mean((h - mu) ** 2, axis=-1, keepdims=True)
    return (h - mu) * jax.lax.rsqrt(var + eps) * scale + bias


def _gidx_body(src_ref, et_ref, o_ref, *, n_nodes, rn):
    base = et_ref[0, :] * n_nodes + src_ref[0, :]
    o_ref[0, :] = base
    o_ref[1, :] = base + rn


def _xw_body(x_ref, w_ref, o_ref, *, dh):
    y = jnp.dot(x_ref[...], w_ref[0], preferred_element_type=jnp.float32)
    o_ref[0, 0] = y[:, :dh]
    o_ref[1, 0] = y[:, dh:]


def _block_body(x_ref, lo_ref, hi_ref, lw_ref, cb_ref, pns_ref, pnb_ref,
                fns_ref, fnb_ref, w1_ref, b1_ref, w2_ref, b2_ref, o_ref):
    x = x_ref[...]
    agg = jnp.concatenate([lo_ref[...], hi_ref[...]], axis=1)
    h = agg + jnp.dot(x.astype(jnp.bfloat16), lw_ref[...],
                      preferred_element_type=jnp.float32)
    h = h + cb_ref[...]
    h = _layernorm(h, pns_ref[...], pnb_ref[...])
    h = _gelu(h)
    x1 = x + h
    f = _layernorm(x1, fns_ref[...], fnb_ref[...])
    f = jnp.dot(f.astype(jnp.bfloat16), w1_ref[...],
                preferred_element_type=jnp.float32) + b1_ref[...]
    f = _gelu(f)
    f = jnp.dot(f.astype(jnp.bfloat16), w2_ref[...],
                preferred_element_type=jnp.float32) + b2_ref[...]
    o_ref[...] = x1 + f


def kernel(graph, x, edge_type, W_rel, loop_weight, conv_bias,
           pre_norm_scale, pre_norm_bias, ff_norm_scale, ff_norm_bias,
           W1, b1, W2, b2):
    n_nodes, d = x.shape
    r_rel = W_rel.shape[0]
    n_edges = edge_type.shape[0]
    hff = W1.shape[1]
    dh = d // 2

    grain = NS * K_EDGE * 4
    e_pad = ((n_edges + grain - 1) // grain) * grain
    pad = e_pad - n_edges
    src = graph[0].astype(jnp.int32)
    dst = graph[1].astype(jnp.int32)
    et = edge_type.astype(jnp.int32)
    if pad:
        src = jnp.concatenate([src, jnp.zeros((pad,), jnp.int32)])
        dst = jnp.concatenate([dst, jnp.full((pad,), n_nodes, jnp.int32)])
        et = jnp.concatenate([et, jnp.zeros((pad,), jnp.int32)])
    dst2 = dst.reshape(e_pad // K_EDGE, K_EDGE)

    n_acc = ((n_nodes + 1 + NS * 128 - 1) // (NS * 128)) * (NS * 128)

    bn1 = 1000
    nb1 = n_nodes // bn1
    xw = pl.pallas_call(
        functools.partial(_xw_body, dh=dh),
        grid=(nb1, r_rel),
        in_specs=[
            pl.BlockSpec((bn1, d), lambda i, r: (i, 0)),
            pl.BlockSpec((1, d, d), lambda i, r: (r, 0, 0)),
        ],
        out_specs=pl.BlockSpec((2, 1, bn1, dh), lambda i, r: (0, r, i, 0)),
        out_shape=jax.ShapeDtypeStruct((2, r_rel, n_nodes, dh), jnp.float32),
    )(x, W_rel)
    table = xw.reshape(2 * r_rel * n_nodes, dh)

    rows_per_tile = n_acc // NS
    ept = e_pad // NS
    nchunks = ept // K_EDGE
    rn = r_rel * n_nodes

    bg = 16384
    g2 = pl.pallas_call(
        functools.partial(_gidx_body, n_nodes=n_nodes, rn=rn),
        grid=(e_pad // bg,),
        in_specs=[
            pl.BlockSpec((1, bg), lambda i: (0, i)),
            pl.BlockSpec((1, bg), lambda i: (0, i)),
        ],
        out_specs=pl.BlockSpec((2, bg), lambda i: (0, i)),
        out_shape=jax.ShapeDtypeStruct((2, e_pad), jnp.int32),
    )(src.reshape(1, e_pad), et.reshape(1, e_pad))
    g2f = g2.reshape(2 * e_pad)

    npairs = nchunks // 2
    nquads = npairs // 2
    kp = 2 * K_EDGE

    def _sc_body(table_ref, g2_ref, dst2_ref, zeros_ref, lo_ref, hi_ref,
                 ga_v, gb_v, dst_v, rows0_v, rows1_v,
                 acc_sh, sem0, sem1):
        c = lax.axis_index("c")
        s = lax.axis_index("s")
        tbase = pl.multiple_of(s * rows_per_tile, K_EDGE)

        pltpu.sync_copy(zeros_ref, acc_sh.at[pl.ds(tbase, rows_per_tile)])
        plsc.subcore_barrier()

        gbase0 = c * e_pad + s * ept
        drow0 = s * nchunks

        pltpu.sync_copy(dst2_ref.at[pl.ds(drow0, nchunks)], dst_v)

        def _stage(pi, gbuf):
            gb = pl.multiple_of(gbase0 + pi * kp, kp)
            pltpu.sync_copy(g2_ref.at[pl.ds(gb, kp)], gbuf)

        def _start(gbuf, leg, buf, sem):
            sl = pl.ds(leg * K_EDGE, K_EDGE)
            return pltpu.async_copy(table_ref.at[gbuf.at[sl]], buf, sem)

        def _scat(buf, ci):
            pltpu.sync_copy(buf, acc_sh.at[dst_v.at[ci]], add=True)

        _stage(0, ga_v)

        def _quad(i, carry):
            ha0 = _start(ga_v, 0, rows0_v, sem0)
            ha1 = _start(ga_v, 1, rows1_v, sem1)
            _stage(2 * i + 1, gb_v)
            ha0.wait()
            _scat(rows0_v, 4 * i)
            hb0 = _start(gb_v, 0, rows0_v, sem0)
            ha1.wait()
            _scat(rows1_v, 4 * i + 1)
            hb1 = _start(gb_v, 1, rows1_v, sem1)

            @pl.when(i < nquads - 1)
            def _():
                _stage(2 * i + 2, ga_v)
            hb0.wait()
            _scat(rows0_v, 4 * i + 2)
            hb1.wait()
            _scat(rows1_v, 4 * i + 3)
            return carry
        lax.fori_loop(0, nquads, _quad, 0)
        plsc.subcore_barrier()

        def _copy_out(out_ref):
            sl = pl.ds(tbase, rows_per_tile)
            pltpu.sync_copy(acc_sh.at[sl], out_ref.at[sl])

        @pl.when(c == 0)
        def _():
            _copy_out(lo_ref)

        @pl.when(c == 1)
        def _():
            _copy_out(hi_ref)

    lo, hi = pl.kernel(
        _sc_body,
        out_type=[
            jax.ShapeDtypeStruct((n_acc, dh), jnp.float32),
            jax.ShapeDtypeStruct((n_acc, dh), jnp.float32),
        ],
        mesh=plsc.VectorSubcoreMesh(core_axis_name="c", subcore_axis_name="s"),
        scratch_types=[
            pltpu.VMEM((kp,), jnp.int32),
            pltpu.VMEM((kp,), jnp.int32),
            pltpu.VMEM((nchunks, K_EDGE), jnp.int32),
            pltpu.VMEM((K_EDGE, dh), jnp.float32),
            pltpu.VMEM((K_EDGE, dh), jnp.float32),
            pltpu.VMEM_SHARED((n_acc, dh), jnp.float32),
            pltpu.SemaphoreType.DMA,
            pltpu.SemaphoreType.DMA,
        ],
    )(table, g2f, dst2, jnp.zeros((rows_per_tile, dh), jnp.float32))

    bn2 = 1000
    nb2 = n_nodes // bn2
    cb = conv_bias.reshape(1, d)
    pns = pre_norm_scale.reshape(1, d)
    pnb = pre_norm_bias.reshape(1, d)
    fns = ff_norm_scale.reshape(1, d)
    fnb = ff_norm_bias.reshape(1, d)
    b1r = b1.reshape(1, hff)
    b2r = b2.reshape(1, d)
    out = pl.pallas_call(
        _block_body,
        grid=(nb2,),
        in_specs=[
            pl.BlockSpec((bn2, d), lambda i: (i, 0)),
            pl.BlockSpec((bn2, dh), lambda i: (i, 0)),
            pl.BlockSpec((bn2, dh), lambda i: (i, 0)),
            pl.BlockSpec((d, d), lambda i: (0, 0)),
            pl.BlockSpec((1, d), lambda i: (0, 0)),
            pl.BlockSpec((1, d), lambda i: (0, 0)),
            pl.BlockSpec((1, d), lambda i: (0, 0)),
            pl.BlockSpec((1, d), lambda i: (0, 0)),
            pl.BlockSpec((1, d), lambda i: (0, 0)),
            pl.BlockSpec((d, hff), lambda i: (0, 0)),
            pl.BlockSpec((1, hff), lambda i: (0, 0)),
            pl.BlockSpec((hff, d), lambda i: (0, 0)),
            pl.BlockSpec((1, d), lambda i: (0, 0)),
        ],
        out_specs=pl.BlockSpec((bn2, d), lambda i: (i, 0)),
        out_shape=jax.ShapeDtypeStruct((n_nodes, d), jnp.float32),
    )(x, lo, hi, loop_weight.astype(jnp.bfloat16), cb, pns, pnb, fns, fnb,
      W1.astype(jnp.bfloat16), b1r, W2.astype(jnp.bfloat16), b2r)
    return out

# --- scband reference (transcript-rebuilt; emitter-appended) ---
"""Pipeline reference for scband-rel-graph-block-73375221285419 (READ-ONLY COPY).

The authoritative reference and input builder live on the scoring server;
editing this copy changes nothing except your own understanding.
"""

import jax, jax.numpy as jnp
import numpy as np

N = 10000
E = 160000
D = 256
R = 8
HFF = 1024  # max(D, int(D*4))


def _layernorm(x, scale, bias, eps=1e-5):
    mu = jnp.mean(x, axis=-1, keepdims=True)
    var = jnp.mean((x - mu) ** 2, axis=-1, keepdims=True)
    return (x - mu) / jnp.sqrt(var + eps) * scale + bias


def setup_inputs(seed: int = 0) -> dict:
    key = jax.random.key(seed)
    ks = jax.random.split(key, 16)
    x = jax.random.normal(ks[0], (N, D), dtype=jnp.float32)
    graph = jax.random.randint(ks[1], (2, E), 0, N, dtype=jnp.int64)
    edge_type = jax.random.randint(ks[2], (E,), 0, R, dtype=jnp.int64)
    s = 1.0 / np.sqrt(D)
    W_rel = jax.random.uniform(ks[3], (R, D, D), jnp.float32, -s, s)
    loop_weight = jax.random.uniform(ks[4], (D, D), jnp.float32, -s, s)
    conv_bias = jnp.zeros((D,), jnp.float32)
    pre_norm_scale = jnp.ones((D,), jnp.float32)
    pre_norm_bias = jnp.zeros((D,), jnp.float32)
    ff_norm_scale = jnp.ones((D,), jnp.float32)
    ff_norm_bias = jnp.zeros((D,), jnp.float32)
    W1 = jax.random.uniform(ks[5], (D, HFF), jnp.float32, -s, s)
    b1 = jnp.zeros((HFF,), jnp.float32)
    s2 = 1.0 / np.sqrt(HFF)
    W2 = jax.random.uniform(ks[6], (HFF, D), jnp.float32, -s2, s2)
    b2 = jnp.zeros((D,), jnp.float32)
    return {"graph": graph, "x": x, "edge_type": edge_type, "W_rel": W_rel,
            "loop_weight": loop_weight, "conv_bias": conv_bias,
            "pre_norm_scale": pre_norm_scale, "pre_norm_bias": pre_norm_bias,
            "ff_norm_scale": ff_norm_scale, "ff_norm_bias": ff_norm_bias,
            "W1": W1, "b1": b1, "W2": W2, "b2": b2}


def reference(graph, x, edge_type, W_rel, loop_weight, conv_bias,
              pre_norm_scale, pre_norm_bias, ff_norm_scale, ff_norm_bias,
              W1, b1, W2, b2):
    src = graph[0]
    dst = graph[1]
    # RelGraphConv: message = W_{etype} @ h_src, sum-aggregated at dst, plus self-loop
    xw = jnp.einsum('nd,rde->rne', x, W_rel)          # [R, N, D]
    msg = xw[edge_type, src]                           # [E, D] gather
    agg = jax.ops.segment_sum(msg, dst, num_segments=N)  # scatter-add
    h = agg + x @ loop_weight + conv_bias
    # pre_norm + gelu + residual (dropout is identity at eval)
    h = jax.nn.gelu(_layernorm(h, pre_norm_scale, pre_norm_bias), approximate=False)
    x = x + h
    # position-wise FF with residual
    ff = _layernorm(x, ff_norm_scale, ff_norm_bias)
    ff = jax.nn.gelu(ff @ W1 + b1, approximate=False)
    ff = ff @ W2 + b2
    x = x + ff
    return x

if __name__ == "__main__":
    import jax
    _d = setup_inputs()
    print(jax.jit(kernel)(*tuple(_d.values())))

</pallas_src>

<mosaic_0001>
#map = affine_map<(d0, d1) -> (0, 0)>
#map1 = affine_map<(d0, d1) -> (0)>
module attributes {stable_mosaic.version = 14 : i64} {
  func.func @_sc_body(%arg0: i32, %arg1: i32, %arg2: memref<160000x128xf32, #tpu.memory_space<hbm>>, %arg3: memref<327680xi32, #tpu.memory_space<hbm>>, %arg4: memref<1280x128xi32, #tpu.memory_space<hbm>>, %arg5: memref<640x128xf32, #tpu.memory_space<hbm>>, %arg6: memref<10240x128xf32, #tpu.memory_space<hbm>>, %arg7: memref<10240x128xf32, #tpu.memory_space<hbm>>, %arg8: memref<256xi32, #tpu.memory_space<vmem>>, %arg9: memref<256xi32, #tpu.memory_space<vmem>>, %arg10: memref<80x128xi32, #tpu.memory_space<vmem>>, %arg11: memref<128x128xf32, #tpu.memory_space<vmem>>, %arg12: memref<128x128xf32, #tpu.memory_space<vmem>>, %arg13: memref<10240x128xf32, #tpu.memory_space<vmem_shared>>, %arg14: memref<!tpu.dma_semaphore, #tpu.memory_space<semaphore_mem>>, %arg15: memref<!tpu.dma_semaphore, #tpu.memory_space<semaphore_mem>>) attributes {dimension_semantics = [#tpu.dimension_semantics<core_parallel>, #tpu.dimension_semantics<subcore_parallel>], iteration_bounds = array<i64: 2, 16>, scalar_prefetch = 0 : i64, scratch_operands = 8 : i64, tpu.core_type = #tpu.core_type<sc_vector_subcore>, window_params = [{transform_indices = #map}, {transform_indices = #map1}, {transform_indices = #map}, {transform_indices = #map}, {transform_indices = #map}, {transform_indices = #map}]} {
    %mul3A = arith.constant 640 : i32
    %mul3A_0 = arith.muli %arg1, %mul3A : i32
    %multiple_of3A = tpu.assume_multiple %mul3A_0, 128 : i32
    "tpu.region"() ({
      %run_scoped3A = tpu.sem_alloc : memref<!tpu.dma_semaphore, #tpu.memory_space<semaphore_mem>>
      %dma_start3A = arith.constant 0 : i32
      %dma_start3A_23 = tpu.memref_slice %arg13[%multiple_of3A, %dma_start3A] : memref<10240x128xf32, #tpu.memory_space<vmem_shared>> -> memref<640x128xf32, #tpu.memory_space<vmem_shared>>
      tpu.enqueue_dma source(%arg5 : memref<640x128xf32, #tpu.memory_space<hbm>>) target(%dma_start3A_23 : memref<640x128xf32, #tpu.memory_space<vmem_shared>>) target_semaphore(%run_scoped3A : memref<!tpu.dma_semaphore, #tpu.memory_space<semaphore_mem>>)
      %dma_wait3A = arith.constant 0 : i32
      %dma_wait3A_24 = tpu.memref_slice %arg13[%multiple_of3A, %dma_wait3A] : memref<10240x128xf32, #tpu.memory_space<vmem_shared>> -> memref<640x128xf32, #tpu.memory_space<vmem_shared>>
      tpu.wait_dma2 semaphore(%run_scoped3A : memref<!tpu.dma_semaphore, #tpu.memory_space<semaphore_mem>>) src(%arg5 : memref<640x128xf32, #tpu.memory_space<hbm>>) dst(%dma_wait3A_24 : memref<640x128xf32, #tpu.memory_space<vmem_shared>>)
      tpu.yield
    }) : () -> ()
    %barrier3A = arith.constant 0 : index
    tpu.barrier barrier_id(%barrier3A)
    %mul3A_1 = arith.constant 163840 : i32
    %mul3A_2 = arith.muli %arg0, %mul3A_1 : i32
    %mul3A_3 = arith.constant 10240 : i32
    %mul3A_4 = arith.muli %arg1, %mul3A_3 : i32
    %add3A = arith.addi %mul3A_2, %mul3A_4 : i32
    %mul3A_5 = arith.constant 80 : i32
    %mul3A_6 = arith.muli %arg1, %mul3A_5 : i32
    "tpu.region"() ({
      %run_scoped3A = tpu.sem_alloc : memref<!tpu.dma_semaphore, #tpu.memory_space<semaphore_mem>>
      %dma_start3A = arith.constant 0 : i32
      %dma_start3A_23 = tpu.memref_slice %arg4[%mul3A_6, %dma_start3A] : memref<1280x128xi32, #tpu.memory_space<hbm>> -> memref<80x128xi32, #tpu.memory_space<hbm>>
      %dma_start3A_24 = arith.constant 0 : i32
      %dma_start3A_25 = tpu.memref_slice %arg4[%mul3A_6, %dma_start3A_24] : memref<1280x128xi32, #tpu.memory_space<hbm>> -> memref<80x128xi32, #tpu.memory_space<hbm>>
      tpu.enqueue_dma source(%dma_start3A_25 : memref<80x128xi32, #tpu.memory_space<hbm>>) target(%arg10 : memref<80x128xi32, #tpu.memory_space<vmem>>) target_semaphore(%run_scoped3A : memref<!tpu.dma_semaphore, #tpu.memory_space<semaphore_mem>>)
      %dma_wait3A = arith.constant 0 : i32
      %dma_wait3A_26 = tpu.memref_slice %arg4[%mul3A_6, %dma_wait3A] : memref<1280x128xi32, #tpu.memory_space<hbm>> -> memref<80x128xi32, #tpu.memory_space<hbm>>
      %dma_wait3A_27 = arith.constant 0 : i32
      %dma_wait3A_28 = tpu.memref_slice %arg4[%mul3A_6, %dma_wait3A_27] : memref<1280x128xi32, #tpu.memory_space<hbm>> -> memref<80x128xi32, #tpu.memory_space<hbm>>
      tpu.wait_dma2 semaphore(%run_scoped3A : memref<!tpu.dma_semaphore, #tpu.memory_space<semaphore_mem>>) src(%dma_wait3A_28 : memref<80x128xi32, #tpu.memory_space<hbm>>) dst(%arg10 : memref<80x128xi32, #tpu.memory_space<vmem>>)
      tpu.yield
    }) : () -> ()
    %add3A_7 = arith.constant 0 : i32
    %add3A_8 = arith.addi %add3A, %add3A_7 : i32
    %multiple_of3A_9 = tpu.assume_multiple %add3A_8, 256 : i32
    "tpu.region"() ({
      %run_scoped3A = tpu.sem_alloc : memref<!tpu.dma_semaphore, #tpu.memory_space<semaphore_mem>>
      %dma_start3A = tpu.memref_slice %arg3[%multiple_of3A_9] : memref<327680xi32, #tpu.memory_space<hbm>> -> memref<256xi32, #tpu.memory_space<hbm>>
      %dma_start3A_23 = tpu.memref_slice %arg3[%multiple_of3A_9] : memref<327680xi32, #tpu.memory_space<hbm>> -> memref<256xi32, #tpu.memory_space<hbm>>
      tpu.enqueue_dma source(%dma_start3A_23 : memref<256xi32, #tpu.memory_space<hbm>>) target(%arg8 : memref<256xi32, #tpu.memory_space<vmem>>) target_semaphore(%run_scoped3A : memref<!tpu.dma_semaphore, #tpu.memory_space<semaphore_mem>>)
      %dma_wait3A = tpu.memref_slice %arg3[%multiple_of3A_9] : memref<327680xi32, #tpu.memory_space<hbm>> -> memref<256xi32, #tpu.memory_space<hbm>>
      %dma_wait3A_24 = tpu.memref_slice %arg3[%multiple_of3A_9] : memref<327680xi32, #tpu.memory_space<hbm>> -> memref<256xi32, #tpu.memory_space<hbm>>
      tpu.wait_dma2 semaphore(%run_scoped3A : memref<!tpu.dma_semaphore, #tpu.memory_space<semaphore_mem>>) src(%dma_wait3A_24 : memref<256xi32, #tpu.memory_space<hbm>>) dst(%arg8 : memref<256xi32, #tpu.memory_space<vmem>>)
      tpu.yield
    }) : () -> ()
    %scan3A = arith.constant 0 : i32
    %scan3A_10 = arith.constant 0 : i32
    %scan3A_11 = arith.constant 20 : i32
    %scan3A_12 = arith.addi %scan3A_10, %scan3A_11 : i32
    %scan3A_13 = arith.constant 1 : i32
    scf.for %scan3A_23 = %scan3A_10 to %scan3A_12 step %scan3A_13  : i32 {
      %dma_start3A = arith.constant 0 : i32
      %dma_start3A_24 = tpu.memref_slice %arg8[%dma_start3A] : memref<256xi32, #tpu.memory_space<vmem>> -> memref<128xi32, #tpu.memory_space<vmem>>
      %dma_start3A_25 = arith.constant 0 : i32
      %dma_start3A_26 = arith.constant 0 : i32
      %dma_start3A_27 = tpu.memref_slice %arg2[%dma_start3A_25, %dma_start3A_26] : memref<160000x128xf32, #tpu.memory_space<hbm>> -> memref<160000x128xf32, #tpu.memory_space<hbm>>
      tpu.enqueue_indirect_dma source(%dma_start3A_27 : memref<160000x128xf32, #tpu.memory_space<hbm>>) target(%arg11 : memref<128x128xf32, #tpu.memory_space<vmem>>) offsets(%dma_start3A_24 : memref<128xi32, #tpu.memory_space<vmem>>) semaphore(%arg14 : memref<!tpu.dma_semaphore, #tpu.memory_space<semaphore_mem>>)
      %dma_start3A_28 = arith.constant 128 : i32
      %dma_start3A_29 = tpu.memref_slice %arg8[%dma_start3A_28] : memref<256xi32, #tpu.memory_space<vmem>> -> memref<128xi32, #tpu.memory_space<vmem>>
      %dma_start3A_30 = arith.constant 0 : i32
      %dma_start3A_31 = arith.constant 0 : i32
      %dma_start3A_32 = tpu.memref_slice %arg2[%dma_start3A_30, %dma_start3A_31] : memref<160000x128xf32, #tpu.memory_space<hbm>> -> memref<160000x128xf32, #tpu.memory_space<hbm>>
      tpu.enqueue_indirect_dma source(%dma_start3A_32 : memref<160000x128xf32, #tpu.memory_space<hbm>>) target(%arg12 : memref<128x128xf32, #tpu.memory_space<vmem>>) offsets(%dma_start3A_29 : memref<128xi32, #tpu.memory_space<vmem>>) semaphore(%arg15 : memref<!tpu.dma_semaphore, #tpu.memory_space<semaphore_mem>>)
      %mul3A_33 = arith.constant 2 : i32
      %mul3A_34 = arith.muli %mul3A_33, %scan3A_23 : i32
      %add3A_35 = arith.constant 1 : i32
      %add3A_36 = arith.addi %mul3A_34, %add3A_35 : i32
      %mul3A_37 = arith.constant 256 : i32
      %mul3A_38 = arith.muli %add3A_36, %mul3A_37 : i32
      %add3A_39 = arith.addi %add3A, %mul3A_38 : i32
      %multiple_of3A_40 = tpu.assume_multiple %add3A_39, 256 : i32
      "tpu.region"() ({
        %run_scoped3A = tpu.sem_alloc : memref<!tpu.dma_semaphore, #tpu.memory_space<semaphore_mem>>
        %dma_start3A_88 = tpu.memref_slice %arg3[%multiple_of3A_40] : memref<327680xi32, #tpu.memory_space<hbm>> -> memref<256xi32, #tpu.memory_space<hbm>>
        %dma_start3A_89 = tpu.memref_slice %arg3[%multiple_of3A_40] : memref<327680xi32, #tpu.memory_space<hbm>> -> memref<256xi32, #tpu.memory_space<hbm>>
        tpu.enqueue_dma source(%dma_start3A_89 : memref<256xi32, #tpu.memory_space<hbm>>) target(%arg9 : memref<256xi32, #tpu.memory_space<vmem>>) target_semaphore(%run_scoped3A : memref<!tpu.dma_semaphore, #tpu.memory_space<semaphore_mem>>)
        %dma_wait3A_90 = tpu.memref_slice %arg3[%multiple_of3A_40] : memref<327680xi32, #tpu.memory_space<hbm>> -> memref<256xi32, #tpu.memory_space<hbm>>
        %dma_wait3A_91 = tpu.memref_slice %arg3[%multiple_of3A_40] : memref<327680xi32, #tpu.memory_space<hbm>> -> memref<256xi32, #tpu.memory_space<hbm>>
        tpu.wait_dma2 semaphore(%run_scoped3A : memref<!tpu.dma_semaphore, #tpu.memory_space<semaphore_mem>>) src(%dma_wait3A_91 : memref<256xi32, #tpu.memory_space<hbm>>) dst(%arg9 : memref<256xi32, #tpu.memory_space<vmem>>)
        tpu.yield
      }) : () -> ()
      %dma_wait3A = arith.constant 0 : i32
      %dma_wait3A_41 = tpu.memref_slice %arg8[%dma_wait3A] : memref<256xi32, #tpu.memory_space<vmem>> -> memref<128xi32, #tpu.memory_space<vmem>>
      %dma_wait3A_42 = arith.constant 0 : i32
      %dma_wait3A_43 = arith.constant 0 : i32
      %dma_wait3A_44 = tpu.memref_slice %arg2[%dma_wait3A_42, %dma_wait3A_43] : memref<160000x128xf32, #tpu.memory_space<hbm>> -> memref<160000x128xf32, #tpu.memory_space<hbm>>
      tpu.wait_indirect_dma semaphore(%arg14 : memref<!tpu.dma_semaphore, #tpu.memory_space<semaphore_mem>>) src(%dma_wait3A_44 : memref<160000x128xf32, #tpu.memory_space<hbm>>) dst(%arg11 : memref<128x128xf32, #tpu.memory_space<vmem>>)
      %mul3A_45 = arith.constant 4 : i32
      %mul3A_46 = arith.muli %mul3A_45, %scan3A_23 : i32
      "tpu.region"() ({
        %run_scoped3A = tpu.sem_alloc : memref<!tpu.dma_semaphore, #tpu.memory_space<semaphore_mem>>
        %dma_start3A_88 = arith.constant 0 : i32
        %dma_start3A_89 = tpu.memref_slice %arg10[%mul3A_46, %dma_start3A_88] : memref<80x128xi32, #tpu.memory_space<vmem>> -> memref<1x128xi32, #tpu.memory_space<vmem>>
        %dma_start3A_90 = tpu.memref_squeeze %dma_start3A_89 : memref<1x128xi32, #tpu.memory_space<vmem>> -> memref<128xi32, #tpu.memory_space<vmem>>
        %dma_start3A_91 = arith.constant 0 : i32
        %dma_start3A_92 = arith.constant 0 : i32
        %dma_start3A_93 = tpu.memref_slice %arg13[%dma_start3A_91, %dma_start3A_92] : memref<10240x128xf32, #tpu.memory_space<vmem_shared>> -> memref<10240x128xf32, #tpu.memory_space<vmem_shared>>
        tpu.enqueue_indirect_dma source(%arg11 : memref<128x128xf32, #tpu.memory_space<vmem>>) target(%dma_start3A_93 : memref<10240x128xf32, #tpu.memory_space<vmem_shared>>) offsets(%dma_start3A_90 : memref<128xi32, #tpu.memory_space<vmem>>) semaphore(%run_scoped3A : memref<!tpu.dma_semaphore, #tpu.memory_space<semaphore_mem>>) {add = true}
        %dma_wait3A_94 = arith.constant 0 : i32
        %dma_wait3A_95 = tpu.memref_slice %arg10[%mul3A_46, %dma_wait3A_94] : memref<80x128xi32, #tpu.memory_space<vmem>> -> memref<1x128xi32, #tpu.memory_space<vmem>>
        %dma_wait3A_96 = tpu.memref_squeeze %dma_wait3A_95 : memref<1x128xi32, #tpu.memory_space<vmem>> -> memref<128xi32, #tpu.memory_space<vmem>>
        %dma_wait3A_97 = arith.constant 0 : i32
        %dma_wait3A_98 = arith.constant 0 : i32
        %dma_wait3A_99 = tpu.memref_slice %arg13[%dma_wait3A_97, %dma_wait3A_98] : memref<10240x128xf32, #tpu.memory_space<vmem_shared>> -> memref<10240x128xf32, #tpu.memory_space<vmem_shared>>
        tpu.wait_indirect_dma semaphore(%run_scoped3A : memref<!tpu.dma_semaphore, #tpu.memory_space<semaphore_mem>>) src(%arg11 : memref<128x128xf32, #tpu.memory_space<vmem>>) dst(%dma_wait3A_99 : memref<10240x128xf32, #tpu.memory_space<vmem_shared>>)
        tpu.yield
      }) : () -> ()
      %dma_start3A_47 = arith.constant 0 : i32
      %dma_start3A_48 = tpu.memref_slice %arg9[%dma_start3A_47] : memref<256xi32, #tpu.memory_space<vmem>> -> memref<128xi32, #tpu.memory_space<vmem>>
      %dma_start3A_49 = arith.constant 0 : i32
      %dma_start3A_50 = arith.constant 0 : i32
      %dma_start3A_51 = tpu.memref_slice %arg2[%dma_start3A_49, %dma_start3A_50] : memref<160000x128xf32, #tpu.memory_space<hbm>> -> memref<160000x128xf32, #tpu.memory_space<hbm>>
      tpu.enqueue_indirect_dma source(%dma_start3A_51 : memref<160000x128xf32, #tpu.memory_space<hbm>>) target(%arg11 : memref<128x128xf32, #tpu.memory_space<vmem>>) offsets(%dma_start3A_48 : memref<128xi32, #tpu.memory_space<vmem>>) semaphore(%arg14 : memref<!tpu.dma_semaphore, #tpu.memory_space<semaphore_mem>>)
      %dma_wait3A_52 = arith.constant 128 : i32
      %dma_wait3A_53 = tpu.memref_slice %arg8[%dma_wait3A_52] : memref<256xi32, #tpu.memory_space<vmem>> -> memref<128xi32, #tpu.memory_space<vmem>>
      %dma_wait3A_54 = arith.constant 0 : i32
      %dma_wait3A_55 = arith.constant 0 : i32
      %dma_wait3A_56 = tpu.memref_slice %arg2[%dma_wait3A_54, %dma_wait3A_55] : memref<160000x128xf32, #tpu.memory_space<hbm>> -> memref<160000x128xf32, #tpu.memory_space<hbm>>
      tpu.wait_indirect_dma semaphore(%arg15 : memref<!tpu.dma_semaphore, #tpu.memory_space<semaphore_mem>>) src(%dma_wait3A_56 : memref<160000x128xf32, #tpu.memory_space<hbm>>) dst(%arg12 : memref<128x128xf32, #tpu.memory_space<vmem>>)
      %mul3A_57 = arith.constant 4 : i32
      %mul3A_58 = arith.muli %mul3A_57, %scan3A_23 : i32
      %add3A_59 = arith.constant 1 : i32
      %add3A_60 = arith.addi %mul3A_58, %add3A_59 : i32
      "tpu.region"() ({
        %run_scoped3A = tpu.sem_alloc : memref<!tpu.dma_semaphore, #tpu.memory_space<semaphore_mem>>
        %dma_start3A_88 = arith.constant 0 : i32
        %dma_start3A_89 = tpu.memref_slice %arg10[%add3A_60, %dma_start3A_88] : memref<80x128xi32, #tpu.memory_space<vmem>> -> memref<1x128xi32, #tpu.memory_space<vmem>>
        %dma_start3A_90 = tpu.memref_squeeze %dma_start3A_89 : memref<1x128xi32, #tpu.memory_space<vmem>> -> memref<128xi32, #tpu.memory_space<vmem>>
        %dma_start3A_91 = arith.constant 0 : i32
        %dma_start3A_92 = arith.constant 0 : i32
        %dma_start3A_93 = tpu.memref_slice %arg13[%dma_start3A_91, %dma_start3A_92] : memref<10240x128xf32, #tpu.memory_space<vmem_shared>> -> memref<10240x128xf32, #tpu.memory_space<vmem_shared>>
        tpu.enqueue_indirect_dma source(%arg12 : memref<128x128xf32, #tpu.memory_space<vmem>>) target(%dma_start3A_93 : memref<10240x128xf32, #tpu.memory_space<vmem_shared>>) offsets(%dma_start3A_90 : memref<128xi32, #tpu.memory_space<vmem>>) semaphore(%run_scoped3A : memref<!tpu.dma_semaphore, #tpu.memory_space<semaphore_mem>>) {add = true}
        %dma_wait3A_94 = arith.constant 0 : i32
        %dma_wait3A_95 = tpu.memref_slice %arg10[%add3A_60, %dma_wait3A_94] : memref<80x128xi32, #tpu.memory_space<vmem>> -> memref<1x128xi32, #tpu.memory_space<vmem>>
        %dma_wait3A_96 = tpu.memref_squeeze %dma_wait3A_95 : memref<1x128xi32, #tpu.memory_space<vmem>> -> memref<128xi32, #tpu.memory_space<vmem>>
        %dma_wait3A_97 = arith.constant 0 : i32
        %dma_wait3A_98 = arith.constant 0 : i32
        %dma_wait3A_99 = tpu.memref_slice %arg13[%dma_wait3A_97, %dma_wait3A_98] : memref<10240x128xf32, #tpu.memory_space<vmem_shared>> -> memref<10240x128xf32, #tpu.memory_space<vmem_shared>>
        tpu.wait_indirect_dma semaphore(%run_scoped3A : memref<!tpu.dma_semaphore, #tpu.memory_space<semaphore_mem>>) src(%arg12 : memref<128x128xf32, #tpu.memory_space<vmem>>) dst(%dma_wait3A_99 : memref<10240x128xf32, #tpu.memory_space<vmem_shared>>)
        tpu.yield
      }) : () -> ()
      %dma_start3A_61 = arith.constant 128 : i32
      %dma_start3A_62 = tpu.memref_slice %arg9[%dma_start3A_61] : memref<256xi32, #tpu.memory_space<vmem>> -> memref<128xi32, #tpu.memory_space<vmem>>
      %dma_start3A_63 = arith.constant 0 : i32
      %dma_start3A_64 = arith.constant 0 : i32
      %dma_start3A_65 = tpu.memref_slice %arg2[%dma_start3A_63, %dma_start3A_64] : memref<160000x128xf32, #tpu.memory_space<hbm>> -> memref<160000x128xf32, #tpu.memory_space<hbm>>
      tpu.enqueue_indirect_dma source(%dma_start3A_65 : memref<160000x128xf32, #tpu.memory_space<hbm>>) target(%arg12 : memref<128x128xf32, #tpu.memory_space<vmem>>) offsets(%dma_start3A_62 : memref<128xi32, #tpu.memory_space<vmem>>) semaphore(%arg15 : memref<!tpu.dma_semaphore, #tpu.memory_space<semaphore_mem>>)
      %lt3A = arith.constant 19 : i32
      %lt3A_66 = arith.cmpi slt, %scan3A_23, %lt3A : i32
      %convert_element_type3A_67 = arith.extui %lt3A_66 : i1 to i32
      %cond3A_68 = arith.constant 0 : i32
      %cond3A_69 = arith.cmpi ne, %convert_element_type3A_67, %cond3A_68 : i32
      scf.if %cond3A_69 {
        %mul3A_88 = arith.constant 2 : i32
        %mul3A_89 = arith.muli %mul3A_88, %scan3A_23 : i32
        %add3A_90 = arith.constant 2 : i32
        %add3A_91 = arith.addi %mul3A_89, %add3A_90 : i32
        %mul3A_92 = arith.constant 256 : i32
        %mul3A_93 = arith.muli %add3A_91, %mul3A_92 : i32
        %add3A_94 = arith.addi %add3A, %mul3A_93 : i32
        %multiple_of3A_95 = tpu.assume_multiple %add3A_94, 256 : i32
        "tpu.region"() ({
          %run_scoped3A = tpu.sem_alloc : memref<!tpu.dma_semaphore, #tpu.memory_space<semaphore_mem>>
          %dma_start3A_96 = tpu.memref_slice %arg3[%multiple_of3A_95] : memref<327680xi32, #tpu.memory_space<hbm>> -> memref<256xi32, #tpu.memory_space<hbm>>
          %dma_start3A_97 = tpu.memref_slice %arg3[%multiple_of3A_95] : memref<327680xi32, #tpu.memory_space<hbm>> -> memref<256xi32, #tpu.memory_space<hbm>>
          tpu.enqueue_dma source(%dma_start3A_97 : memref<256xi32, #tpu.memory_space<hbm>>) target(%arg8 : memref<256xi32, #tpu.memory_space<vmem>>) target_semaphore(%run_scoped3A : memref<!tpu.dma_semaphore, #tpu.memory_space<semaphore_mem>>)
          %dma_wait3A_98 = tpu.memref_slice %arg3[%multiple_of3A_95] : memref<327680xi32, #tpu.memory_space<hbm>> -> memref<256xi32, #tpu.memory_space<hbm>>
          %dma_wait3A_99 = tpu.memref_slice %arg3[%multiple_of3A_95] : memref<327680xi32, #tpu.memory_space<hbm>> -> memref<256xi32, #tpu.memory_space<hbm>>
          tpu.wait_dma2 semaphore(%run_scoped3A : memref<!tpu.dma_semaphore, #tpu.memory_space<semaphore_mem>>) src(%dma_wait3A_99 : memref<256xi32, #tpu.memory_space<hbm>>) dst(%arg8 : memref<256xi32, #tpu.memory_space<vmem>>)
          tpu.yield
        }) : () -> ()
      } else {
      }
      %dma_wait3A_70 = arith.constant 0 : i32
      %dma_wait3A_71 = tpu.memref_slice %arg9[%dma_wait3A_70] : memref<256xi32, #tpu.memory_space<vmem>> -> memref<128xi32, #tpu.memory_space<vmem>>
      %dma_wait3A_72 = arith.constant 0 : i32
      %dma_wait3A_73 = arith.constant 0 : i32
      %dma_wait3A_74 = tpu.memref_slice %arg2[%dma_wait3A_72, %dma_wait3A_73] : memref<160000x128xf32, #tpu.memory_space<hbm>> -> memref<160000x128xf32, #tpu.memory_space<hbm>>
      tpu.wait_indirect_dma semaphore(%arg14 : memref<!tpu.dma_semaphore, #tpu.memory_space<semaphore_mem>>) src(%dma_wait3A_74 : memref<160000x128xf32, #tpu.memory_space<hbm>>) dst(%arg11 : memref<128x128xf32, #tpu.memory_space<vmem>>)
      %mul3A_75 = arith.constant 4 : i32
      %mul3A_76 = arith.muli %mul3A_75, %scan3A_23 : i32
      %add3A_77 = arith.constant 2 : i32
      %add3A_78 = arith.addi %mul3A_76, %add3A_77 : i32
      "tpu.region"() ({
        %run_scoped3A = tpu.sem_alloc : memref<!tpu.dma_semaphore, #tpu.memory_space<semaphore_mem>>
        %dma_start3A_88 = arith.constant 0 : i32
        %dma_start3A_89 = tpu.memref_slice %arg10[%add3A_78, %dma_start3A_88] : memref<80x128xi32, #tpu.memory_space<vmem>> -> memref<1x128xi32, #tpu.memory_space<vmem>>
        %dma_start3A_90 = tpu.memref_squeeze %dma_start3A_89 : memref<1x128xi32, #tpu.memory_space<vmem>> -> memref<128xi32, #tpu.memory_space<vmem>>
        %dma_start3A_91 = arith.constant 0 : i32
        %dma_start3A_92 = arith.constant 0 : i32
        %dma_start3A_93 = tpu.memref_slice %arg13[%dma_start3A_91, %dma_start3A_92] : memref<10240x128xf32, #tpu.memory_space<vmem_shared>> -> memref<10240x128xf32, #tpu.memory_space<vmem_shared>>
        tpu.enqueue_indirect_dma source(%arg11 : memref<128x128xf32, #tpu.memory_space<vmem>>) target(%dma_start3A_93 : memref<10240x128xf32, #tpu.memory_space<vmem_shared>>) offsets(%dma_start3A_90 : memref<128xi32, #tpu.memory_space<vmem>>) semaphore(%run_scoped3A : memref<!tpu.dma_semaphore, #tpu.memory_space<semaphore_mem>>) {add = true}
        %dma_wait3A_94 = arith.constant 0 : i32
        %dma_wait3A_95 = tpu.memref_slice %arg10[%add3A_78, %dma_wait3A_94] : memref<80x128xi32, #tpu.memory_space<vmem>> -> memref<1x128xi32, #tpu.memory_space<vmem>>
        %dma_wait3A_96 = tpu.memref_squeeze %dma_wait3A_95 : memref<1x128xi32, #tpu.memory_space<vmem>> -> memref<128xi32, #tpu.memory_space<vmem>>
        %dma_wait3A_97 = arith.constant 0 : i32
        %dma_wait3A_98 = arith.constant 0 : i32
        %dma_wait3A_99 = tpu.memref_slice %arg13[%dma_wait3A_97, %dma_wait3A_98] : memref<10240x128xf32, #tpu.memory_space<vmem_shared>> -> memref<10240x128xf32, #tpu.memory_space<vmem_shared>>
        tpu.wait_indirect_dma semaphore(%run_scoped3A : memref<!tpu.dma_semaphore, #tpu.memory_space<semaphore_mem>>) src(%arg11 : memref<128x128xf32, #tpu.memory_space<vmem>>) dst(%dma_wait3A_99 : memref<10240x128xf32, #tpu.memory_space<vmem_shared>>)
        tpu.yield
      }) : () -> ()
      %dma_wait3A_79 = arith.constant 128 : i32
      %dma_wait3A_80 = tpu.memref_slice %arg9[%dma_wait3A_79] : memref<256xi32, #tpu.memory_space<vmem>> -> memref<128xi32, #tpu.memory_space<vmem>>
      %dma_wait3A_81 = arith.constant 0 : i32
      %dma_wait3A_82 = arith.constant 0 : i32
      %dma_wait3A_83 = tpu.memref_slice %arg2[%dma_wait3A_81, %dma_wait3A_82] : memref<160000x128xf32, #tpu.memory_space<hbm>> -> memref<160000x128xf32, #tpu.memory_space<hbm>>
      tpu.wait_indirect_dma semaphore(%arg15 : memref<!tpu.dma_semaphore, #tpu.memory_space<semaphore_mem>>) src(%dma_wait3A_83 : memref<160000x128xf32, #tpu.memory_space<hbm>>) dst(%arg12 : memref<128x128xf32, #tpu.memory_space<vmem>>)
      %mul3A_84 = arith.constant 4 : i32
      %mul3A_85 = arith.muli %mul3A_84, %scan3A_23 : i32
      %add3A_86 = arith.constant 3 : i32
      %add3A_87 = arith.addi %mul3A_85, %add3A_86 : i32
      "tpu.region"() ({
        %run_scoped3A = tpu.sem_alloc : memref<!tpu.dma_semaphore, #tpu.memory_space<semaphore_mem>>
        %dma_start3A_88 = arith.constant 0 : i32
        %dma_start3A_89 = tpu.memref_slice %arg10[%add3A_87, %dma_start3A_88] : memref<80x128xi32, #tpu.memory_space<vmem>> -> memref<1x128xi32, #tpu.memory_space<vmem>>
        %dma_start3A_90 = tpu.memref_squeeze %dma_start3A_89 : memref<1x128xi32, #tpu.memory_space<vmem>> -> memref<128xi32, #tpu.memory_space<vmem>>
        %dma_start3A_91 = arith.constant 0 : i32
        %dma_start3A_92 = arith.constant 0 : i32
        %dma_start3A_93 = tpu.memref_slice %arg13[%dma_start3A_91, %dma_start3A_92] : memref<10240x128xf32, #tpu.memory_space<vmem_shared>> -> memref<10240x128xf32, #tpu.memory_space<vmem_shared>>
        tpu.enqueue_indirect_dma source(%arg12 : memref<128x128xf32, #tpu.memory_space<vmem>>) target(%dma_start3A_93 : memref<10240x128xf32, #tpu.memory_space<vmem_shared>>) offsets(%dma_start3A_90 : memref<128xi32, #tpu.memory_space<vmem>>) semaphore(%run_scoped3A : memref<!tpu.dma_semaphore, #tpu.memory_space<semaphore_mem>>) {add = true}
        %dma_wait3A_94 = arith.constant 0 : i32
        %dma_wait3A_95 = tpu.memref_slice %arg10[%add3A_87, %dma_wait3A_94] : memref<80x128xi32, #tpu.memory_space<vmem>> -> memref<1x128xi32, #tpu.memory_space<vmem>>
        %dma_wait3A_96 = tpu.memref_squeeze %dma_wait3A_95 : memref<1x128xi32, #tpu.memory_space<vmem>> -> memref<128xi32, #tpu.memory_space<vmem>>
        %dma_wait3A_97 = arith.constant 0 : i32
        %dma_wait3A_98 = arith.constant 0 : i32
        %dma_wait3A_99 = tpu.memref_slice %arg13[%dma_wait3A_97, %dma_wait3A_98] : memref<10240x128xf32, #tpu.memory_space<vmem_shared>> -> memref<10240x128xf32, #tpu.memory_space<vmem_shared>>
        tpu.wait_indirect_dma semaphore(%run_scoped3A : memref<!tpu.dma_semaphore, #tpu.memory_space<semaphore_mem>>) src(%arg12 : memref<128x128xf32, #tpu.memory_space<vmem>>) dst(%dma_wait3A_99 : memref<10240x128xf32, #tpu.memory_space<vmem_shared>>)
        tpu.yield
      }) : () -> ()
    }
    %scan3A_14 = arith.constant 20 : i32
    %barrier3A_15 = arith.constant 0 : index
    tpu.barrier barrier_id(%barrier3A_15)
    %eq3A = arith.constant 0 : i32
    %eq3A_16 = arith.cmpi eq, %arg0, %eq3A : i32
    %convert_element_type3A = arith.extui %eq3A_16 : i1 to i32
    %cond3A = arith.constant 0 : i32
    %cond3A_17 = arith.cmpi ne, %convert_element_type3A, %cond3A : i32
    scf.if %cond3A_17 {
      "tpu.region"() ({
        %run_scoped3A = tpu.sem_alloc : memref<!tpu.dma_semaphore, #tpu.memory_space<semaphore_mem>>
        %dma_start3A = arith.constant 0 : i32
        %dma_start3A_23 = tpu.memref_slice %arg6[%multiple_of3A, %dma_start3A] : memref<10240x128xf32, #tpu.memory_space<hbm>> -> memref<640x128xf32, #tpu.memory_space<hbm>>
        %dma_start3A_24 = arith.constant 0 : i32
        %dma_start3A_25 = tpu.memref_slice %arg13[%multiple_of3A, %dma_start3A_24] : memref<10240x128xf32, #tpu.memory_space<vmem_shared>> -> memref<640x128xf32, #tpu.memory_space<vmem_shared>>
        tpu.enqueue_dma source(%dma_start3A_25 : memref<640x128xf32, #tpu.memory_space<vmem_shared>>) target(%dma_start3A_23 : memref<640x128xf32, #tpu.memory_space<hbm>>) target_semaphore(%run_scoped3A : memref<!tpu.dma_semaphore, #tpu.memory_space<semaphore_mem>>)
        %dma_wait3A = arith.constant 0 : i32
        %dma_wait3A_26 = tpu.memref_slice %arg6[%multiple_of3A, %dma_wait3A] : memref<10240x128xf32, #tpu.memory_space<hbm>> -> memref<640x128xf32, #tpu.memory_space<hbm>>
        %dma_wait3A_27 = arith.constant 0 : i32
        %dma_wait3A_28 = tpu.memref_slice %arg13[%multiple_of3A, %dma_wait3A_27] : memref<10240x128xf32, #tpu.memory_space<vmem_shared>> -> memref<640x128xf32, #tpu.memory_space<vmem_shared>>
        tpu.wait_dma2 semaphore(%run_scoped3A : memref<!tpu.dma_semaphore, #tpu.memory_space<semaphore_mem>>) src(%dma_wait3A_28 : memref<640x128xf32, #tpu.memory_space<vmem_shared>>) dst(%dma_wait3A_26 : memref<640x128xf32, #tpu.memory_space<hbm>>)
        tpu.yield
      }) : () -> ()
    } else {
    }
    %eq3A_18 = arith.constant 1 : i32
    %eq3A_19 = arith.cmpi eq, %arg0, %eq3A_18 : i32
    %convert_element_type3A_20 = arith.extui %eq3A_19 : i1 to i32
    %cond3A_21 = arith.constant 0 : i32
    %cond3A_22 = arith.cmpi ne, %convert_element_type3A_20, %cond3A_21 : i32
    scf.if %cond3A_22 {
      "tpu.region"() ({
        %run_scoped3A = tpu.sem_alloc : memref<!tpu.dma_semaphore, #tpu.memory_space<semaphore_mem>>
        %dma_start3A = arith.constant 0 : i32
        %dma_start3A_23 = tpu.memref_slice %arg7[%multiple_of3A, %dma_start3A] : memref<10240x128xf32, #tpu.memory_space<hbm>> -> memref<640x128xf32, #tpu.memory_space<hbm>>
        %dma_start3A_24 = arith.constant 0 : i32
        %dma_start3A_25 = tpu.memref_slice %arg13[%multiple_of3A, %dma_start3A_24] : memref<10240x128xf32, #tpu.memory_space<vmem_shared>> -> memref<640x128xf32, #tpu.memory_space<vmem_shared>>
        tpu.enqueue_dma source(%dma_start3A_25 : memref<640x128xf32, #tpu.memory_space<vmem_shared>>) target(%dma_start3A_23 : memref<640x128xf32, #tpu.memory_space<hbm>>) target_semaphore(%run_scoped3A : memref<!tpu.dma_semaphore, #tpu.memory_space<semaphore_mem>>)
        %dma_wait3A = arith.constant 0 : i32
        %dma_wait3A_26 = tpu.memref_slice %arg7[%multiple_of3A, %dma_wait3A] : memref<10240x128xf32, #tpu.memory_space<hbm>> -> memref<640x128xf32, #tpu.memory_space<hbm>>
        %dma_wait3A_27 = arith.constant 0 : i32
        %dma_wait3A_28 = tpu.memref_slice %arg13[%multiple_of3A, %dma_wait3A_27] : memref<10240x128xf32, #tpu.memory_space<vmem_shared>> -> memref<640x128xf32, #tpu.memory_space<vmem_shared>>
        tpu.wait_dma2 semaphore(%run_scoped3A : memref<!tpu.dma_semaphore, #tpu.memory_space<semaphore_mem>>) src(%dma_wait3A_28 : memref<640x128xf32, #tpu.memory_space<vmem_shared>>) dst(%dma_wait3A_26 : memref<640x128xf32, #tpu.memory_space<hbm>>)
        tpu.yield
      }) : () -> ()
    } else {
    }
    return
  }
}

module attributes {stable_mosaic.version = 14 : i64} {
  func.func @_gidx_body(%arg0: i32, %arg1: memref<1x16384xi32, #tpu.memory_space<vmem>>, %arg2: memref<1x16384xi32, #tpu.memory_space<vmem>>, %arg3: memref<2x16384xi32, #tpu.memory_space<vmem>>) attributes {dimension_semantics = [#tpu.dimension_semantics<arbitrary>], iteration_bounds = array<i64: 10>, scalar_prefetch = 0 : i64, scratch_operands = 0 : i64, tpu.core_type = #tpu.core_type<tc>, window_params = [{transform_indices = @transform_0, window_bounds = array<i64: 1, 16384>}, {transform_indices = @transform_1, window_bounds = array<i64: 1, 16384>}, {transform_indices = @transform_2, window_bounds = array<i64: 2, 16384>}]} {
    %get3A = arith.constant 0 : index
    %get3A_0 = arith.constant 0 : index
    %get3A_1 = vector.load %arg2[%get3A, %get3A_0] : memref<1x16384xi32, #tpu.memory_space<vmem>>, vector<1x16384xi32>
    %get3A_2 = vector.shape_cast %get3A_1 : vector<1x16384xi32> to vector<16384xi32>
    %mul3A = arith.constant 10000 : i32
    %mul3A_3 = vector.broadcast %mul3A : i32 to vector<16384xi32>
    %mul3A_4 = arith.muli %get3A_2, %mul3A_3 : vector<16384xi32>
    %get3A_5 = arith.constant 0 : index
    %get3A_6 = arith.constant 0 : index
    %get3A_7 = vector.load %arg1[%get3A_5, %get3A_6] : memref<1x16384xi32, #tpu.memory_space<vmem>>, vector<1x16384xi32>
    %get3A_8 = vector.shape_cast %get3A_7 : vector<1x16384xi32> to vector<16384xi32>
    %add3A = arith.addi %mul3A_4, %get3A_8 : vector<16384xi32>
    %swap3A = arith.constant 0 : index
    %swap3A_9 = arith.constant 0 : index
    %swap3A_10 = vector.load %arg3[%swap3A, %swap3A_9] : memref<2x16384xi32, #tpu.memory_space<vmem>>, vector<1x16384xi32>
    %swap3A_11 = vector.shape_cast %swap3A_10 : vector<1x16384xi32> to vector<16384xi32>
    %swap3A_12 = vector.shape_cast %add3A : vector<16384xi32> to vector<1x16384xi32>
    tpu.vector_store %arg3[%swap3A, %swap3A_9], %swap3A_12 {strides = array<i32>} : memref<2x16384xi32, #tpu.memory_space<vmem>>, vector<1x16384xi32>,
    %add3A_13 = arith.constant 80000 : i32
    %add3A_14 = vector.broadcast %add3A_13 : i32 to vector<16384xi32>
    %add3A_15 = arith.addi %add3A, %add3A_14 : vector<16384xi32>
    %swap3A_16 = arith.constant 1 : index
    %swap3A_17 = arith.constant 0 : index
    %swap3A_18 = vector.load %arg3[%swap3A_16, %swap3A_17] : memref<2x16384xi32, #tpu.memory_space<vmem>>, vector<1x16384xi32>
    %swap3A_19 = vector.shape_cast %swap3A_18 : vector<1x16384xi32> to vector<16384xi32>
    %swap3A_20 = vector.shape_cast %add3A_15 : vector<16384xi32> to vector<1x16384xi32>
    tpu.vector_store %arg3[%swap3A_16, %swap3A_17], %swap3A_20 {strides = array<i32>} : memref<2x16384xi32, #tpu.memory_space<vmem>>, vector<1x16384xi32>,
    return
  }
  func.func @transform_0(%arg0: i32) -> (i32, i32) {
    %c0_i32 = arith.constant 0 : i32
    %c0_i32_0 = arith.constant 0 : i32
    return %c0_i32, %arg0 : i32, i32
  }
  func.func @transform_1(%arg0: i32) -> (i32, i32) {
    %c0_i32 = arith.constant 0 : i32
    %c0_i32_0 = arith.constant 0 : i32
    return %c0_i32, %arg0 : i32, i32
  }
  func.func @transform_2(%arg0: i32) -> (i32, i32) {
    %c0_i32 = arith.constant 0 : i32
    %c0_i32_0 = arith.constant 0 : i32
    return %c0_i32, %arg0 : i32, i32
  }
}

module attributes {stable_mosaic.version = 14 : i64} {
  func.func @_xw_body(%arg0: i32, %arg1: i32, %arg2: memref<1000x256xf32, #tpu.memory_space<vmem>>, %arg3: memref<1x256x256xf32, #tpu.memory_space<vmem>>, %arg4: memref<2x1x1000x128xf32, #tpu.memory_space<vmem>>) attributes {dimension_semantics = [#tpu.dimension_semantics<arbitrary>, #tpu.dimension_semantics<arbitrary>], iteration_bounds = array<i64: 10, 8>, scalar_prefetch = 0 : i64, scratch_operands = 0 : i64, tpu.core_type = #tpu.core_type<tc>, window_params = [{transform_indices = @transform_0, window_bounds = array<i64: 1000, 256>}, {transform_indices = @transform_1, window_bounds = array<i64: 1, 256, 256>}, {transform_indices = @transform_2, window_bounds = array<i64: 2, 1, 1000, 128>}]} {
    %get3A = arith.constant 0 : index
    %get3A_0 = arith.constant 0 : index
    %get3A_1 = vector.load %arg2[%get3A, %get3A_0] : memref<1000x256xf32, #tpu.memory_space<vmem>>, vector<1000x256xf32>
    %get3A_2 = arith.constant 0 : index
    %get3A_3 = arith.constant 0 : index
    %get3A_4 = arith.constant 0 : index
    %get3A_5 = vector.load %arg3[%get3A_2, %get3A_3, %get3A_4] : memref<1x256x256xf32, #tpu.memory_space<vmem>>, vector<1x256x256xf32>
    %get3A_6 = vector.shape_cast %get3A_5 : vector<1x256x256xf32> to vector<256x256xf32>
    %dot_general3A = arith.constant dense<0.000000e+00> : vector<1000x256xf32>
    %dot_general3A_7 = tpu.matmul %get3A_1, %get3A_6, %dot_general3A {dimension_numbers = #tpu.dot_dimension_numbers<[1], [0], [0], [1], [0, 0, 1, 1], [], []>, transpose_lhs_hint = false} : vector<1000x256xf32>, vector<256x256xf32>, vector<1000x256xf32> -> vector<1000x256xf32>
    %slice3A = vector.extract_strided_slice %dot_general3A_7 {offsets = [0, 0], sizes = [1000, 128], strides = [1, 1]} : vector<1000x256xf32> to vector<1000x128xf32>
    %swap3A = arith.constant 0 : index
    %swap3A_8 = arith.constant 0 : index
    %swap3A_9 = arith.constant 0 : index
    %swap3A_10 = arith.constant 0 : index
    %swap3A_11 = vector.load %arg4[%swap3A, %swap3A_8, %swap3A_9, %swap3A_10] : memref<2x1x1000x128xf32, #tpu.memory_space<vmem>>, vector<1x1x1000x128xf32>
    %swap3A_12 = vector.shape_cast %swap3A_11 : vector<1x1x1000x128xf32> to vector<1000x128xf32>
    %swap3A_13 = vector.shape_cast %slice3A : vector<1000x128xf32> to vector<1x1x1000x128xf32>
    tpu.vector_store %arg4[%swap3A, %swap3A_8, %swap3A_9, %swap3A_10], %swap3A_13 {strides = array<i32>} : memref<2x1x1000x128xf32, #tpu.memory_space<vmem>>, vector<1x1x1000x128xf32>,
    %slice3A_14 = vector.extract_strided_slice %dot_general3A_7 {offsets = [0, 128], sizes = [1000, 128], strides = [1, 1]} : vector<1000x256xf32> to vector<1000x128xf32>
    %swap3A_15 = arith.constant 1 : index
    %swap3A_16 = arith.constant 0 : index
    %swap3A_17 = arith.constant 0 : index
    %swap3A_18 = arith.constant 0 : index
    %swap3A_19 = vector.load %arg4[%swap3A_15, %swap3A_16, %swap3A_17, %swap3A_18] : memref<2x1x1000x128xf32, #tpu.memory_space<vmem>>, vector<1x1x1000x128xf32>
    %swap3A_20 = vector.shape_cast %swap3A_19 : vector<1x1x1000x128xf32> to vector<1000x128xf32>
    %swap3A_21 = vector.shape_cast %slice3A_14 : vector<1000x128xf32> to vector<1x1x1000x128xf32>
    tpu.vector_store %arg4[%swap3A_15, %swap3A_16, %swap3A_17, %swap3A_18], %swap3A_21 {strides = array<i32>} : memref<2x1x1000x128xf32, #tpu.memory_space<vmem>>, vector<1x1x1000x128xf32>,
    return
  }
  func.func @transform_0(%arg0: i32, %arg1: i32) -> (i32, i32) {
    %c0_i32 = arith.constant 0 : i32
    %c0_i32_0 = arith.constant 0 : i32
    return %arg0, %c0_i32 : i32, i32
  }
  func.func @transform_1(%arg0: i32, %arg1: i32) -> (i32, i32, i32) {
    %c0_i32 = arith.constant 0 : i32
    %c0_i32_0 = arith.constant 0 : i32
    %c0_i32_1 = arith.constant 0 : i32
    return %arg1, %c0_i32, %c0_i32_0 : i32, i32, i32
  }
  func.func @transform_2(%arg0: i32, %arg1: i32) -> (i32, i32, i32, i32) {
    %c0_i32 = arith.constant 0 : i32
    %c0_i32_0 = arith.constant 0 : i32
    %c0_i32_1 = arith.constant 0 : i32
    return %c0_i32, %arg1, %arg0, %c0_i32_0 : i32, i32, i32, i32
  }
}

module attributes {stable_mosaic.version = 14 : i64} {
  func.func @_block_body(%arg0: i32, %arg1: memref<1000x256xf32, #tpu.memory_space<vmem>>, %arg2: memref<1000x128xf32, #tpu.memory_space<vmem>>, %arg3: memref<1000x128xf32, #tpu.memory_space<vmem>>, %arg4: memref<256x256xbf16, #tpu.memory_space<vmem>>, %arg5: memref<1x256xf32, #tpu.memory_space<vmem>>, %arg6: memref<1x256xf32, #tpu.memory_space<vmem>>, %arg7: memref<1x256xf32, #tpu.memory_space<vmem>>, %arg8: memref<1x256xf32, #tpu.memory_space<vmem>>, %arg9: memref<1x256xf32, #tpu.memory_space<vmem>>, %arg10: memref<256x1024xbf16, #tpu.memory_space<vmem>>, %arg11: memref<1x1024xf32, #tpu.memory_space<vmem>>, %arg12: memref<1024x256xbf16, #tpu.memory_space<vmem>>, %arg13: memref<1x256xf32, #tpu.memory_space<vmem>>, %arg14: memref<1000x256xf32, #tpu.memory_space<vmem>>) attributes {dimension_semantics = [#tpu.dimension_semantics<arbitrary>], iteration_bounds = array<i64: 10>, scalar_prefetch = 0 : i64, scratch_operands = 0 : i64, tpu.core_type = #tpu.core_type<tc>, window_params = [{transform_indices = @transform_0, window_bounds = array<i64: 1000, 256>}, {transform_indices = @transform_1, window_bounds = array<i64: 1000, 128>}, {transform_indices = @transform_2, window_bounds = array<i64: 1000, 128>}, {pipeline_mode = #tpu.pipeline_mode<synchronous>, transform_indices = @transform_3, window_bounds = array<i64: 256, 256>}, {pipeline_mode = #tpu.pipeline_mode<synchronous>, transform_indices = @transform_4, window_bounds = array<i64: 1, 256>}, {pipeline_mode = #tpu.pipeline_mode<synchronous>, transform_indices = @transform_5, window_bounds = array<i64: 1, 256>}, {pipeline_mode = #tpu.pipeline_mode<synchronous>, transform_indices = @transform_6, window_bounds = array<i64: 1, 256>}, {pipeline_mode = #tpu.pipeline_mode<synchronous>, transform_indices = @transform_7, window_bounds = array<i64: 1, 256>}, {pipeline_mode = #tpu.pipeline_mode<synchronous>, transform_indices = @transform_8, window_bounds = array<i64: 1, 256>}, {pipeline_mode = #tpu.pipeline_mode<synchronous>, transform_indices = @transform_9, window_bounds = array<i64: 256, 1024>}, {pipeline_mode = #tpu.pipeline_mode<synchronous>, transform_indices = @transform_10, window_bounds = array<i64: 1, 1024>}, {pipeline_mode = #tpu.pipeline_mode<synchronous>, transform_indices = @transform_11, window_bounds = array<i64: 1024, 256>}, {pipeline_mode = #tpu.pipeline_mode<synchronous>, transform_indices = @transform_12, window_bounds = array<i64: 1, 256>}, {transform_indices = @transform_13, window_bounds = array<i64: 1000, 256>}]} {
    %get3A = arith.constant 0 : index
    %get3A_0 = arith.constant 0 : index
    %get3A_1 = vector.load %arg1[%get3A, %get3A_0] : memref<1000x256xf32, #tpu.memory_space<vmem>>, vector<1000x256xf32>
    %get3A_2 = arith.constant 0 : index
    %get3A_3 = arith.constant 0 : index
    %get3A_4 = vector.load %arg2[%get3A_2, %get3A_3] : memref<1000x128xf32, #tpu.memory_space<vmem>>, vector<1000x128xf32>
    %get3A_5 = arith.constant 0 : index
    %get3A_6 = arith.constant 0 : index
    %get3A_7 = vector.load %arg3[%get3A_5, %get3A_6] : memref<1000x128xf32, #tpu.memory_space<vmem>>, vector<1000x128xf32>
    %concatenate3A = tpu.concatenate %get3A_4, %get3A_7 in 1 : vector<1000x128xf32>, vector<1000x128xf32> -> vector<1000x256xf32>
    %convert_element_type3A = arith.truncf %get3A_1 : vector<1000x256xf32> to vector<1000x256xbf16>
    %get3A_8 = arith.constant 0 : index
    %get3A_9 = arith.constant 0 : index
    %get3A_10 = vector.load %arg4[%get3A_8, %get3A_9] : memref<256x256xbf16, #tpu.memory_space<vmem>>, vector<256x256xbf16>
    %dot_general3A = arith.constant dense<0.000000e+00> : vector<1000x256xf32>
    %dot_general3A_11 = tpu.matmul %convert_element_type3A, %get3A_10, %dot_general3A {dimension_numbers = #tpu.dot_dimension_numbers<[1], [0], [0], [1], [0, 0, 1, 1], [], []>, transpose_lhs_hint = false} : vector<1000x256xbf16>, vector<256x256xbf16>, vector<1000x256xf32> -> vector<1000x256xf32>
    %add3A = arith.addf %concatenate3A, %dot_general3A_11 : vector<1000x256xf32>
    %get3A_12 = arith.constant 0 : index
    %get3A_13 = arith.constant 0 : index
    %get3A_14 = vector.load %arg5[%get3A_12, %get3A_13] : memref<1x256xf32, #tpu.memory_space<vmem>>, vector<1x256xf32>
    %add3A_15 = vector.broadcast %get3A_14 : vector<1x256xf32> to vector<1000x256xf32>
    %add3A_16 = arith.addf %add3A, %add3A_15 : vector<1000x256xf32>
    %get3A_17 = arith.constant 0 : index
    %get3A_18 = arith.constant 0 : index
    %get3A_19 = vector.load %arg6[%get3A_17, %get3A_18] : memref<1x256xf32, #tpu.memory_space<vmem>>, vector<1x256xf32>
    %get3A_20 = arith.constant 0 : index
    %get3A_21 = arith.constant 0 : index
    %get3A_22 = vector.load %arg7[%get3A_20, %get3A_21] : memref<1x256xf32, #tpu.memory_space<vmem>>, vector<1x256xf32>
    %reduce_sum3A = arith.constant dense<0.000000e+00> : vector<1000xf32>
    %reduce_sum3A_23 = vector.multi_reduction <add>, %add3A_16, %reduce_sum3A [1] : vector<1000x256xf32> to vector<1000xf32>
    %broadcast_in_dim3A = vector.shape_cast %reduce_sum3A_23 : vector<1000xf32> to vector<1000x1xf32>
    %div3A = arith.constant 2.560000e+02 : f32
    %div3A_24 = vector.broadcast %div3A : f32 to vector<1000x1xf32>
    %div3A_25 = arith.divf %broadcast_in_dim3A, %div3A_24 : vector<1000x1xf32>
    %sub3A = vector.broadcast %div3A_25 : vector<1000x1xf32> to vector<1000x256xf32>
    %sub3A_26 = arith.subf %add3A_16, %sub3A : vector<1000x256xf32>
    %integer_pow3A = arith.mulf %sub3A_26, %sub3A_26 : vector<1000x256xf32>
    %reduce_sum3A_27 = arith.constant dense<0.000000e+00> : vector<1000xf32>
    %reduce_sum3A_28 = vector.multi_reduction <add>, %integer_pow3A, %reduce_sum3A_27 [1] : vector<1000x256xf32> to vector<1000xf32>
    %broadcast_in_dim3A_29 = vector.shape_cast %reduce_sum3A_28 : vector<1000xf32> to vector<1000x1xf32>
    %div3A_30 = arith.constant 2.560000e+02 : f32
    %div3A_31 = vector.broadcast %div3A_30 : f32 to vector<1000x1xf32>
    %div3A_32 = arith.divf %broadcast_in_dim3A_29, %div3A_31 : vector<1000x1xf32>
    %sub3A_33 = vector.broadcast %div3A_25 : vector<1000x1xf32> to vector<1000x256xf32>
    %sub3A_34 = arith.subf %add3A_16, %sub3A_33 : vector<1000x256xf32>
    %add3A_35 = arith.constant 9.99999974E-6 : f32
    %add3A_36 = vector.broadcast %add3A_35 : f32 to vector<1000x1xf32>
    %add3A_37 = arith.addf %div3A_32, %add3A_36 : vector<1000x1xf32>
    %sqrt3A = math.sqrt %add3A_37 : vector<1000x1xf32>
    %div3A_38 = vector.broadcast %sqrt3A : vector<1000x1xf32> to vector<1000x256xf32>
    %div3A_39 = arith.divf %sub3A_34, %div3A_38 : vector<1000x256xf32>
    %mul3A = vector.broadcast %get3A_19 : vector<1x256xf32> to vector<1000x256xf32>
    %mul3A_40 = arith.mulf %div3A_39, %mul3A : vector<1000x256xf32>
    %add3A_41 = vector.broadcast %get3A_22 : vector<1x256xf32> to vector<1000x256xf32>
    %add3A_42 = arith.addf %mul3A_40, %add3A_41 : vector<1000x256xf32>
    %mul3A_43 = arith.constant 5.000000e-01 : f32
    %mul3A_44 = vector.broadcast %mul3A_43 : f32 to vector<1000x256xf32>
    %mul3A_45 = arith.mulf %mul3A_44, %add3A_42 : vector<1000x256xf32>
    %mul3A_46 = arith.constant 0.707106769 : f32
    %mul3A_47 = vector.broadcast %mul3A_46 : f32 to vector<1000x256xf32>
    %mul3A_48 = arith.mulf %add3A_42, %mul3A_47 : vector<1000x256xf32>
    %erf3A = math.erf %mul3A_48 : vector<1000x256xf32>
    %add3A_49 = arith.constant 1.000000e+00 : f32
    %add3A_50 = vector.broadcast %add3A_49 : f32 to vector<1000x256xf32>
    %add3A_51 = arith.addf %add3A_50, %erf3A : vector<1000x256xf32>
    %mul3A_52 = arith.mulf %mul3A_45, %add3A_51 : vector<1000x256xf32>
    %add3A_53 = arith.addf %get3A_1, %mul3A_52 : vector<1000x256xf32>
    %get3A_54 = arith.constant 0 : index
    %get3A_55 = arith.constant 0 : index
    %get3A_56 = vector.load %arg8[%get3A_54, %get3A_55] : memref<1x256xf32, #tpu.memory_space<vmem>>, vector<1x256xf32>
    %get3A_57 = arith.constant 0 : index
    %get3A_58 = arith.constant 0 : index
    %get3A_59 = vector.load %arg9[%get3A_57, %get3A_58] : memref<1x256xf32, #tpu.memory_space<vmem>>, vector<1x256xf32>
    %reduce_sum3A_60 = arith.constant dense<0.000000e+00> : vector<1000xf32>
    %reduce_sum3A_61 = vector.multi_reduction <add>, %add3A_53, %reduce_sum3A_60 [1] : vector<1000x256xf32> to vector<1000xf32>
    %broadcast_in_dim3A_62 = vector.shape_cast %reduce_sum3A_61 : vector<1000xf32> to vector<1000x1xf32>
    %div3A_63 = arith.constant 2.560000e+02 : f32
    %div3A_64 = vector.broadcast %div3A_63 : f32 to vector<1000x1xf32>
    %div3A_65 = arith.divf %broadcast_in_dim3A_62, %div3A_64 : vector<1000x1xf32>
    %sub3A_66 = vector.broadcast %div3A_65 : vector<1000x1xf32> to vector<1000x256xf32>
    %sub3A_67 = arith.subf %add3A_53, %sub3A_66 : vector<1000x256xf32>
    %integer_pow3A_68 = arith.mulf %sub3A_67, %sub3A_67 : vector<1000x256xf32>
    %reduce_sum3A_69 = arith.constant dense<0.000000e+00> : vector<1000xf32>
    %reduce_sum3A_70 = vector.multi_reduction <add>, %integer_pow3A_68, %reduce_sum3A_69 [1] : vector<1000x256xf32> to vector<1000xf32>
    %broadcast_in_dim3A_71 = vector.shape_cast %reduce_sum3A_70 : vector<1000xf32> to vector<1000x1xf32>
    %div3A_72 = arith.constant 2.560000e+02 : f32
    %div3A_73 = vector.broadcast %div3A_72 : f32 to vector<1000x1xf32>
    %div3A_74 = arith.divf %broadcast_in_dim3A_71, %div3A_73 : vector<1000x1xf32>
    %sub3A_75 = vector.broadcast %div3A_65 : vector<1000x1xf32> to vector<1000x256xf32>
    %sub3A_76 = arith.subf %add3A_53, %sub3A_75 : vector<1000x256xf32>
    %add3A_77 = arith.constant 9.99999974E-6 : f32
    %add3A_78 = vector.broadcast %add3A_77 : f32 to vector<1000x1xf32>
    %add3A_79 = arith.addf %div3A_74, %add3A_78 : vector<1000x1xf32>
    %sqrt3A_80 = math.sqrt %add3A_79 : vector<1000x1xf32>
    %div3A_81 = vector.broadcast %sqrt3A_80 : vector<1000x1xf32> to vector<1000x256xf32>
    %div3A_82 = arith.divf %sub3A_76, %div3A_81 : vector<1000x256xf32>
    %mul3A_83 = vector.broadcast %get3A_56 : vector<1x256xf32> to vector<1000x256xf32>
    %mul3A_84 = arith.mulf %div3A_82, %mul3A_83 : vector<1000x256xf32>
    %add3A_85 = vector.broadcast %get3A_59 : vector<1x256xf32> to vector<1000x256xf32>
    %add3A_86 = arith.addf %mul3A_84, %add3A_85 : vector<1000x256xf32>
    %convert_element_type3A_87 = arith.truncf %add3A_86 : vector<1000x256xf32> to vector<1000x256xbf16>
    %get3A_88 = arith.constant 0 : index
    %get3A_89 = arith.constant 0 : index
    %get3A_90 = vector.load %arg10[%get3A_88, %get3A_89] : memref<256x1024xbf16, #tpu.memory_space<vmem>>, vector<256x1024xbf16>
    %dot_general3A_91 = arith.constant dense<0.000000e+00> : vector<1000x1024xf32>
    %dot_general3A_92 = tpu.matmul %convert_element_type3A_87, %get3A_90, %dot_general3A_91 {dimension_numbers = #tpu.dot_dimension_numbers<[1], [0], [0], [1], [0, 0, 1, 1], [], []>, transpose_lhs_hint = false} : vector<1000x256xbf16>, vector<256x1024xbf16>, vector<1000x1024xf32> -> vector<1000x1024xf32>
    %get3A_93 = arith.constant 0 : index
    %get3A_94 = arith.constant 0 : index
    %get3A_95 = vector.load %arg11[%get3A_93, %get3A_94] : memref<1x1024xf32, #tpu.memory_space<vmem>>, vector<1x1024xf32>
    %add3A_96 = vector.broadcast %get3A_95 : vector<1x1024xf32> to vector<1000x1024xf32>
    %add3A_97 = arith.addf %dot_general3A_92, %add3A_96 : vector<1000x1024xf32>
    %mul3A_98 = arith.constant 5.000000e-01 : f32
    %mul3A_99 = vector.broadcast %mul3A_98 : f32 to vector<1000x1024xf32>
    %mul3A_100 = arith.mulf %mul3A_99, %add3A_97 : vector<1000x1024xf32>
    %mul3A_101 = arith.constant 0.707106769 : f32
    %mul3A_102 = vector.broadcast %mul3A_101 : f32 to vector<1000x1024xf32>
    %mul3A_103 = arith.mulf %add3A_97, %mul3A_102 : vector<1000x1024xf32>
    %erf3A_104 = math.erf %mul3A_103 : vector<1000x1024xf32>
    %add3A_105 = arith.constant 1.000000e+00 : f32
    %add3A_106 = vector.broadcast %add3A_105 : f32 to vector<1000x1024xf32>
    %add3A_107 = arith.addf %add3A_106, %erf3A_104 : vector<1000x1024xf32>
    %mul3A_108 = arith.mulf %mul3A_100, %add3A_107 : vector<1000x1024xf32>
    %convert_element_type3A_109 = arith.truncf %mul3A_108 : vector<1000x1024xf32> to vector<1000x1024xbf16>
    %get3A_110 = arith.constant 0 : index
    %get3A_111 = arith.constant 0 : index
    %get3A_112 = vector.load %arg12[%get3A_110, %get3A_111] : memref<1024x256xbf16, #tpu.memory_space<vmem>>, vector<1024x256xbf16>
    %dot_general3A_113 = arith.constant dense<0.000000e+00> : vector<1000x256xf32>
    %dot_general3A_114 = tpu.matmul %convert_element_type3A_109, %get3A_112, %dot_general3A_113 {dimension_numbers = #tpu.dot_dimension_numbers<[1], [0], [0], [1], [0, 0, 1, 1], [], []>, transpose_lhs_hint = false} : vector<1000x1024xbf16>, vector<1024x256xbf16>, vector<1000x256xf32> -> vector<1000x256xf32>
    %get3A_115 = arith.constant 0 : index
    %get3A_116 = arith.constant 0 : index
    %get3A_117 = vector.load %arg13[%get3A_115, %get3A_116] : memref<1x256xf32, #tpu.memory_space<vmem>>, vector<1x256xf32>
    %add3A_118 = vector.broadcast %get3A_117 : vector<1x256xf32> to vector<1000x256xf32>
    %add3A_119 = arith.addf %dot_general3A_114, %add3A_118 : vector<1000x256xf32>
    %add3A_120 = arith.addf %add3A_53, %add3A_119 : vector<1000x256xf32>
    %swap3A = arith.constant 0 : index
    %swap3A_121 = arith.constant 0 : index
    %swap3A_122 = vector.load %arg14[%swap3A, %swap3A_121] : memref<1000x256xf32, #tpu.memory_space<vmem>>, vector<1000x256xf32>
    tpu.vector_store %arg14[%swap3A, %swap3A_121], %add3A_120 {strides = array<i32>} : memref<1000x256xf32, #tpu.memory_space<vmem>>, vector<1000x256xf32>,
    return
  }
  func.func @transform_0(%arg0: i32) -> (i32, i32) {
    %c0_i32 = arith.constant 0 : i32
    %c0_i32_0 = arith.constant 0 : i32
    return %arg0, %c0_i32 : i32, i32
  }
  func.func @transform_1(%arg0: i32) -> (i32, i32) {
    %c0_i32 = arith.constant 0 : i32
    %c0_i32_0 = arith.constant 0 : i32
    return %arg0, %c0_i32 : i32, i32
  }
  func.func @transform_2(%arg0: i32) -> (i32, i32) {
    %c0_i32 = arith.constant 0 : i32
    %c0_i32_0 = arith.constant 0 : i32
    return %arg0, %c0_i32 : i32, i32
  }
  func.func @transform_3(%arg0: i32) -> (i32, i32) {
    %c0_i32 = arith.constant 0 : i32
    %c0_i32_0 = arith.constant 0 : i32
    %c0_i32_1 = arith.constant 0 : i32
    return %c0_i32, %c0_i32_0 : i32, i32
  }
  func.func @transform_4(%arg0: i32) -> (i32, i32) {
    %c0_i32 = arith.constant 0 : i32
    %c0_i32_0 = arith.constant 0 : i32
    %c0_i32_1 = arith.constant 0 : i32
    return %c0_i32, %c0_i32_0 : i32, i32
  }
  func.func @transform_5(%arg0: i32) -> (i32, i32) {
    %c0_i32 = arith.constant 0 : i32
    %c0_i32_0 = arith.constant 0 : i32
    %c0_i32_1 = arith.constant 0 : i32
    return %c0_i32, %c0_i32_0 : i32, i32
  }
  func.func @transform_6(%arg0: i32) -> (i32, i32) {
    %c0_i32 = arith.constant 0 : i32
    %c0_i32_0 = arith.constant 0 : i32
    %c0_i32_1 = arith.constant 0 : i32
    return %c0_i32, %c0_i32_0 : i32, i32
  }
  func.func @transform_7(%arg0: i32) -> (i32, i32) {
    %c0_i32 = arith.constant 0 : i32
    %c0_i32_0 = arith.constant 0 : i32
    %c0_i32_1 = arith.constant 0 : i32
    return %c0_i32, %c0_i32_0 : i32, i32
  }
  func.func @transform_8(%arg0: i32) -> (i32, i32) {
    %c0_i32 = arith.constant 0 : i32
    %c0_i32_0 = arith.constant 0 : i32
    %c0_i32_1 = arith.constant 0 : i32
    return %c0_i32, %c0_i32_0 : i32, i32
  }
  func.func @transform_9(%arg0: i32) -> (i32, i32) {
    %c0_i32 = arith.constant 0 : i32
    %c0_i32_0 = arith.constant 0 : i32
    %c0_i32_1 = arith.constant 0 : i32
    return %c0_i32, %c0_i32_0 : i32, i32
  }
  func.func @transform_10(%arg0: i32) -> (i32, i32) {
    %c0_i32 = arith.constant 0 : i32
    %c0_i32_0 = arith.constant 0 : i32
    %c0_i32_1 = arith.constant 0 : i32
    return %c0_i32, %c0_i32_0 : i32, i32
  }
  func.func @transform_11(%arg0: i32) -> (i32, i32) {
    %c0_i32 = arith.constant 0 : i32
    %c0_i32_0 = arith.constant 0 : i32
    %c0_i32_1 = arith.constant 0 : i32
    return %c0_i32, %c0_i32_0 : i32, i32
  }
  func.func @transform_12(%arg0: i32) -> (i32, i32) {
    %c0_i32 = arith.constant 0 : i32
    %c0_i32_0 = arith.constant 0 : i32
    %c0_i32_1 = arith.constant 0 : i32
    return %c0_i32, %c0_i32_0 : i32, i32
  }
  func.func @transform_13(%arg0: i32) -> (i32, i32) {
    %c0_i32 = arith.constant 0 : i32
    %c0_i32_0 = arith.constant 0 : i32
    return %arg0, %c0_i32 : i32, i32
  }
}

</mosaic_0001>

<sc_bundles>
// kernel: kernel.6.cloned.1.call-start
scs
__scs_entry_jumppad:
0x0: {  	(pc) =	sbr.rel $0x88, $3  }
0x1: {  	(tag) =	ssettag $0x0;
	lr =	simm.s32 $0x1  }
0x2: {  	[smem:$0x3F93] =	sst lr;
	_ =	strace $0xD0000000  }
0x3: {  	_ = 	snop  }
0x4: {  	_ = 	snop  }
0x5: {  	_ = 	snop  }
0x6: {  	_ = 	snop  }
0x7: {  	_ = 	snop  }
__scs_overlays_trampoline_lowered:
0x8: {  	[smem:$0x3FA2] =	sst s0  }
0x9: {  	[smem:$0x3FA3] =	sst s1  }
0xa: {  	[smem:$0x3FA4] =	sst s2  }
0xb: {  	[smem:$0x3FA5] =	sst s3  }
0xc: {  	[smem:$0x3FA6] =	sst s4  }
0xd: {  	[smem:$0x3FA7] =	sst s5  }
0xe: {  	[smem:$0x3FA8] =	sst s6  }
0xf: {  	[smem:$0x3FA9] =	sst s7  }
0x10: {  	[smem:$0x3FAA] =	sst s8  }
0x11: {  	[smem:$0x3FAB] =	sst s9;
	s0 =	simm.s32 @!p0 $0x0  }
0x12: {  	s1 =	sld [smem:$0x3F91];
	s0 =	simm.s32 @p0 $0x1  }
0x13: {  	[smem:$0x3FAC] =	sst s0;
	s0 =	simm.s32 @!p1 $0x0  }
0x14: {  	s2 =	sld [smem:$0x3F90];
	s0 =	simm.s32 @p1 $0x1  }
0x15: {  	[smem:$0x3FAD] =	sst s0;
	s0 =	simm.s32 @!p2 $0x0  }
0x16: {  	s3 =	sld [smem:$0x3FDB];
	s0 =	simm.s32 @p2 $0x1  }
0x17: {  	s4 =	simm.s32 $0x1BF5;
	[smem:$0x3FAF] =	sst s0  }
0x18: {  	s0 =	sld [smem:$0x3F92];
	_ =	swait.ge [sflag:s4], $0x0  }
0x19: {  	s7 =	sld [smem:$0x3F93]  }
0x1a: {  	s8 =	sadd.s32 $0xFFFFE003, lr  }
0x1b: {  	s9 =	sadd.s32 $0xFFFFFEF7, lr;
	s5 =	simm.s32 $0xFFFFFFFF;
	p2 =	slt.u32 s8, $0xFFFFF086  }
0x1c: {  	p1 =	slt.u32 s9, $0xF7A;
	s5 =	simm.s32 @!p2 $0x0  }
0x1d: {  	s5 =	simm.s32 @p1 $0x1;
	p0 =	seq.s32 s7, s2  }
0x1e: {  	s7 =	smul.u32 @!p0 $0xF7A, s2;
	p2 =	seq.s32 @!p0 s5, $0x0  }
0x1f: {  	s9 =	smul.u32 $0xF7A, s1;
	s8 =	simm.s32 @!p0 $0x1BF5;
	p2 =	por !p2, p0  }
0x20: {  	[sflag:s8] =	ssyncset.s32 @!p0 $0xFFFFF086;
	s6 =	sadd.s32 @!p0 s3, s7;
	s7 =	simm.s32 @!p0 $0x108  }
0x21: {  	s3 =	sadd.s32 s3, s9;
	s6 =	sadd.s32 @!p0 $0x88, s6;
	s7 =	simm.s32 @p2 $0x1082  }
0x22: {  	[simem:s7], [sflag:s8] =	dma.local @!p0 [hbm:s6], $0xF7A  }
0x23: {  	s9 =	sor.u32 $0xD0000000, s2;
	s6 =	simm.s32 $0x108;
	_ =	swait.ge @!p0 [sflag:s8], $0x0  }
0x24: {  	s3 =	sadd.s32 $0x88, s3;
	s6 =	simm.s32 @!p1 $0x1082;
	[sflag:s4] =	ssyncset.s32 $0xFFFFF086  }
0x25: {  	[simem:s6], [sflag:s4] =	dma.local [hbm:s3], $0xF7A  }
0x26: {  	[smem:$0x3F93] =	sst s1;
	(tag) =	ssettag s2;
	_ =	strace s9  }
0x27: {  	s1 =	sld [smem:$0x3FA3]  }
0x28: {  	s2 =	sld [smem:$0x3FA4]  }
0x29: {  	s4 =	sld [smem:$0x3FA6]  }
0x2a: {  	p0 =	seq.s32 s5, $0x0;
	s5 =	sld [smem:$0x3FA7]  }
0x2b: {  	s6 =	sld [smem:$0x3FA8]  }
0x2c: {  	s7 =	sld [smem:$0x3FA9]  }
0x2d: {  	s3 =	simm.s32 $0x108;
	s8 =	sld [smem:$0x3FAA]  }
0x2e: {  	s3 =	simm.s32 @!p0 $0x1082;
	s9 =	sld [smem:$0x3FAB]  }
0x2f: {  	lr =	sadd.s32 s0, s3;
	s0 =	sld [smem:$0x3FA2]  }
0x30: {  	s3 =	sld [smem:$0x3FA5]  }
0x31: {  	[smem:$0x3FAE] =	sst s10  }
0x32: {  	s10 =	sld [smem:$0x3FAC];
	_ =	sdelay $0x3  }
0x33: {  	p0 =	seq.s32 s10, $0x1;
	s10 =	sld [smem:$0x3FAE];
	_ =	sdelay $0x3  }
0x34: {  	[smem:$0x3FAE] =	sst s10  }
0x35: {  	s10 =	sld [smem:$0x3FAD];
	_ =	sdelay $0x3  }
0x36: {  	p1 =	seq.s32 s10, $0x1;
	s10 =	sld [smem:$0x3FAE];
	_ =	sdelay $0x3  }
0x37: {  	[smem:$0x3FAE] =	sst s10  }
0x38: {  	s10 =	sld [smem:$0x3FAF]  }
0x39: {  	_ = 	snop;
	(pc) =	sbr.ind lr, $3  }
0x3a: {  	_ = 	snop  }
0x3b: {  	_ = 	snop  }
0x3c: {  	p2 =	seq.s32 s10, $0x1;
	s10 =	sld [smem:$0x3FAE]  }
0x3d: {  	_ =	shalt  }
0x3e: {  	_ =	shalt  }
0x3f: {  	_ =	shalt  }
0x40: {  	_ =	shalt  }
0x41: {  	_ =	shalt  }
0x42: {  	_ =	shalt  }
0x43: {  	_ =	shalt  }
0x44: {  	_ =	shalt  }
0x45: {  	_ =	shalt  }
0x46: {  	_ =	shalt  }
0x47: {  	_ =	shalt  }
0x48: {  	_ =	shalt  }
0x49: {  	_ =	shalt  }
0x4a: {  	_ =	shalt  }
0x4b: {  	_ =	shalt  }
0x4c: {  	_ =	shalt  }
0x4d: {  	_ =	shalt  }
0x4e: {  	_ =	shalt  }
0x4f: {  	_ =	shalt  }
0x50: {  	_ =	shalt  }
0x51: {  	_ =	shalt  }
0x52: {  	_ =	shalt  }
0x53: {  	_ =	shalt  }
0x54: {  	_ =	shalt  }
0x55: {  	_ =	shalt  }
0x56: {  	_ =	shalt  }
0x57: {  	_ =	shalt  }
0x58: {  	_ =	shalt  }
0x59: {  	_ =	shalt  }
0x5a: {  	_ =	shalt  }
0x5b: {  	_ =	shalt  }
0x5c: {  	_ =	shalt  }
0x5d: {  	_ =	shalt  }
0x5e: {  	_ =	shalt  }
0x5f: {  	_ =	shalt  }
0x60: {  	_ =	shalt  }
0x61: {  	_ =	shalt  }
0x62: {  	_ =	shalt  }
0x63: {  	_ =	shalt  }
0x64: {  	_ =	shalt  }
0x65: {  	_ =	shalt  }
0x66: {  	_ =	shalt  }
0x67: {  	_ =	shalt  }
0x68: {  	_ =	shalt  }
0x69: {  	_ =	shalt  }
0x6a: {  	_ =	shalt  }
0x6b: {  	_ =	shalt  }
0x6c: {  	_ =	shalt  }
0x6d: {  	_ =	shalt  }
0x6e: {  	_ =	shalt  }
0x6f: {  	_ =	shalt  }
0x70: {  	_ =	shalt  }
0x71: {  	_ =	shalt  }
0x72: {  	_ =	shalt  }
0x73: {  	_ =	shalt  }
0x74: {  	_ =	shalt  }
0x75: {  	_ =	shalt  }
0x76: {  	_ =	shalt  }
0x77: {  	_ =	shalt  }
0x78: {  	_ =	shalt  }
0x79: {  	_ =	shalt  }
0x7a: {  	_ =	shalt  }
0x7b: {  	_ =	shalt  }
0x7c: {  	_ =	shalt  }
0x7d: {  	_ =	shalt  }
0x7e: {  	_ =	shalt  }
0x7f: {  	_ =	shalt  }
0x80: {  	_ =	shalt  }
0x81: {  	_ =	shalt  }
0x82: {  	_ =	shalt  }
0x83: {  	_ =	shalt  }
0x84: {  	_ =	shalt  }
0x85: {  	_ =	shalt  }
0x86: {  	_ =	shalt  }
0x87: {  	_ =	shalt  }
.Lfunc_end0:
.L_simem_size_0:
called_computation_lowered:
.L_overlay_start_0:
0x88: {  	s2 =	sld [smem:$0x3FD9]  }
0x89: {  	s3 =	sld [smem:$0x3FFE];
	_ =	sdelay $0x1  }
0x8a: {  	s1 =	srdreg.scid  }
0x8b: {  	s0 =	sand.u32 $0x1, s1  }
0x8c: {  	s17 =	sshll.u32 s0, $0xA;
	s2 =	sadd.s32 s3, s2  }
0x8d: {  	s2 =	sadd.s32 s2, s17  }
0x8e: {  	[smem:$0x3FBA] =	sst s2  }
0x8f: {  	_ = 	snop  }
0x90: {  	s2 =	sld [smem:$0x3FD0];
	(tm) =	ssettm $0x1  }
0x91: {  	s18 =	sld [smem:$0x3FFB];
	_ =	sdelay $0x3  }
0x92: {  	_ =	strace s18  }
0x93: {  	s3 =	sld [smem:$0x3FFC];
	_ =	sdelay $0x3  }
0x94: {  	_ =	strace s3  }
0x95: {  	s3 =	sld [smem:$0x3FFD];
	_ =	sdelay $0x3  }
0x96: {  	_ =	strace s3  }
0x97: {  	_ =	strace $0x8FFFFFFF  }
0x98: {  	s19 =	sld [smem:$0x3FDB];
	_ =	sdelay $0x1  }
0x99: {  	s4 =	simm.s32 $_scs_section_size  }
0x9a: {  	s5 =	simm.s32 $_size__tile_overlayer_lowered;
	s6 =	simm.s32 $_tile_overlayer_lowered  }
0x9b: {  	s22 =	simm.s32 $0x1BFF;
	s21 =	sshll.u32 s6, $0x1;
	s3 =	sadd.s32 s4, s19  }
0x9c: {  	s7 =	simm.s32 $0x0;
	s20 =	sshll.u32 s5, $0x1;
	s5 =	sadd.s32 s21, s3  }
0x9d: {  	[timem:s7], [sflag:s22] =	dma.local [hbm:s5], s20  }
0x9e: {  	_ =	swait.ge [sflag:s22], s20  }
0x9f: {  	s4 =	ssub.s32 $0x0, s20;
	[sflag:s22] =	ssyncset.done $0x0  }
0xa0: {  	[sflag:s22] =	ssyncadd.s32 s4;
	_ =	sdelay $0x1  }
0xa1: {  	s23 =	simm.s32 $0x1B8B  }
0xa2: {  	_ =	swait.ge [sflag:s23], $0x1  }
0xa3: {  	[sflag:s23] =	ssyncset.done $0x0  }
0xa4: {  	s25 =	simm.s32 $0x1B8E;
	s24 =	sld [smem:$0x3FFE];
	[sflag:s23] =	ssyncadd.s32 $0xFFFFFFFF  }
0xa5: {  	s26 =	simm.s32 $execute0_lowered;
	[smem:$0x3FD2] =	sst s25  }
0xa6: {  	s5 =	sshll.u32 s26, $0x1;
	_ =	strace $0x80000046;
	[dreg:$0x1] =	wrdreg $0xFFFFFFFF  }
0xa7: {  	s28 =	simm.s32 $_size_execute0_lowered;
	s3 =	sadd.s32 s3, s5;
	[dreg:$0x0] =	wrdreg $0x0  }
0xa8: {  	s5 =	sshll.u32 s28, $0x1;
	[dreg:$0x2] =	wrdreg s3  }
0xa9: {  	[dreg:$0x3] =	wrdreg s5  }
0xaa: {  	[dreg:$0x4] =	wrdreg $0xC0  }
0xab: {  	_ =	task [dreg:s7], $0x5FFFF  }
0xac: {  	[dreg:$0x1] =	wrdreg $0xFFFFFFFF  }
0xad: {  	[dreg:$0x0] =	wrdreg $0x60  }
0xae: {  	[dreg:$0x2] =	wrdreg s24  }
0xaf: {  	[dreg:$0x3] =	wrdreg s2  }
0xb0: {  	[dreg:$0x4] =	wrdreg $0xAA000  }
0xb1: {  	[dreg:$0x5] =	wrdreg $0x9  }
0xb2: {  	_ =	task.clear_ibuf [dreg:s7], $0x6FFFF;
	_ =	strace $0x90000046  }
0xb3: {  	s29 =	simm.s32 $0x9;
	_ =	strace $0x80000048  }
0xb4: {  	_ =	swait.ge [sflag:s29], $0x1  }
0xb5: {  	[sflag:s29] =	ssyncadd.s32 $0xFFFFFFFF  }
0xb6: {  	_ =	strace $0x90000048  }
0xb7: {  	_ =	sfence  }
0xb8: {  	s30 =	sld [smem:$0x0];
	_ =	sdelay $0x2  }
0xb9: {  	s31 =	sshll.u32 s1, $0xD;
	s1 =	sshrl.u32 s1, $0x2  }
0xba: {  	s3 =	sand.u32 $0x4000, s31;
	s1 =	sadd.s32 s1, s30  }
0xbb: {  	s0 =	sor.u32 s3, s0;
	s1 =	sshll.u32 s1, $0x11  }
0xbc: {  	s0 =	sor.u32 s1, s0  }
0xbd: {  	s0 =	sadd.s32 $0x8F2B, s0  }
0xbe: {  	[sflag:s0] =	ssyncadd.remote.s32 $0x1  }
0xbf: {  	_ =	sfence.sel $0xFFFF  }
0xc0: {  	[dreg:$0x0] =	wrdreg $0xFFFFFFFF;
	(pc) =	sbr.abs _section_cstart, $3  }
0xc1: {  	[dreg:$0x1] =	wrdreg $0xFFFFFFFF  }
0xc2: {  	_ =	task.clear_ibuf [dreg:s7], $0x2FFFF;
	_ =	strace $0x9FFFFFFF  }
0xc3: {  	(tm) =	ssettm $0x7FFFFFFF  }
tec
execute0_lowered:
.L_overlay_start_1:
0x0: {  	(tag) =	ssettag $0x1  }
0x1: {  	s0 =	rddreg [dreg:$0x0]  }
0x2: {  	s11 =	rddreg [dreg:$0x1]  }
0x3: {  	s1 =	rddreg [dreg:$0x2]  }
0x4: {  	s3 =	simm.s32 $0x0;
	s2 =	stileid.u32;
	s6 =	srdreg.scid  }
0x5: {  	s17 =	simm.s32 $0x80;
	s18 =	simm.s32 $0x2A00;
	s19 =	simm.s32 $0x6A00  }
0x6: {  	s20 =	simm.s32 $0x100;
	s21 =	simm.s32 $0x1;
	s22 =	simm.s32 $0x2  }
0x7: {  	s23 =	simm.s32 $0x180;
	s28 =	simm.s32 $0x2980;
	s29 =	simm.s32 $0x0  }
0x8: {  	[smem:$0x7FF] =	sst s3;
	s4 =	sadd.s32 $0x10C00, s0;
	s5 =	smul.u32 $0x500, s2  }
0x9: {  	s13 =	sadd.s32 $0x1C00, s0;
	s9 =	sand.u32 $0x1, s6;
	s24 =	smul.u32 $0x50000, s2  }
0xa: {  	s14 =	smul.u32 $0x2800, s2;
	s25 =	sshll.u32 s2, $0x6;
	_ =	strace $0x80000047  }
0xb: {  	s8 =	ssub.s32 $0x2, s9;
	s10 =	smul.u32 $0x28000, s9;
	p0 =	seq.s32 s9, $0x1  }
0xc: {  	s7 =	sadd.s32 s5, s0;
	s5 =	sadd.s32 $0x281C00, s0;
	s12 =	sshrl.u32 s8, $0x1  }
0xd: {  	s0 =	sadd.s32 $0x284400, s0;
	s6 =	sshrl.u32 s24, $0x2;
	s24 =	simm.s32 $0x2800  }
0xe: {  	s12 =	ssub.s32 s8, s12;
	s15 =	sadd.s32 s6, s1;
	s16 =	sadd.s32 s14, s10  }
0xf: {  	s6 =	sor.u32 $0x1C03, s25;
	s7 =	sadd.s32 $0xBC00, s7;
	s11 =	smov.u32 @p0 s0  }
0x10: {  	s25 =	simm.s32 $0x2880;
	s26 =	sshrl.u32 s16, $0x3;
	s9 =	smax.u32 s12, $0x1  }
0x11: {  	s30 =	sor.u32 $0x200, s16;
	s16 =	sor.u32 $0x100, s16;
	s11 =	sadd.s32 s11, s14  }
0x12: {  	s14 =	sshrl.u32 s15, $0x3;
	s15 =	simm.s32 $0x3;
	s8 =	sadd.s32 s13, s26  }
0x13: {  	s31 =	sshrl.u32 s30, $0x3;
	s16 =	sshrl.u32 s16, $0x3;
	s26 =	simm.s32 $0x2900  }
0x14: {  	s10 =	sadd.s32 $0x4E0, s8;
	s12 =	sadd.s32 s31, s13;
	s0 =	sadd.s32 s16, s13  }
.LBB2_1:
0x15: {  	[spmem:s14], [sflag:s6] =	dma.local [hbm:s5], $0x2800  }
0x16: {  	_ =	swait.ge [sflag:s15], $0x2800  }
0x17: {  	[sflag:s15] =	ssyncset.done $0x0  }
0x18: {  	[sflag:s15] =	ssyncadd.s32 $0xFFFFD800  }
0x19: {  	s2 =	simm.s32 $0x200;
	[bflag:$0x0] =	sbarrier.arrive $0xFFFF  }
0x1a: {  	[tilespmem:s2], [sflag:$0x3] =	stream.linear.gather [hbm4b:s7+s3], $0x2800, $0x38;
	[tilespmem:$0x1EA00] =	vst v63  }
0x1b: {  	_ =	swait.ge [sflag:s15], $0x2800  }
0x1c: {  	[sflag:s15] =	ssyncset.done $0x0  }
0x1d: {  	[sflag:s15] =	ssyncadd.s32 $0xFFFFD800  }
0x1e: {  	[tilespmem:s3], [sflag:$0x3] =	stream.linear.gather [hbm4b:s8+s3], $0x100, $0x38;
	[tilespmem:$0x1EA00] =	vst v63  }
0x1f: {  	_ =	swait.ge [sflag:s15], $0x100  }
0x20: {  	[sflag:s15] =	ssyncset.done $0x0  }
0x21: {  	[sflag:s15] =	ssyncadd.s32 $0xFFFFFF00  }
0x22: {  	[tilespmem:s18], [sflag:$0x1] =	stream.indirect.gather [hbm4b:s4+s17], $0x80, s3, s17, $0xb8;
	[tilespmem:$0x1EA00] =	vst v63  }
0x23: {  	_ = 	snop  }
0x24: {  	[tilespmem:s19], [sflag:$0x2] =	stream.indirect.gather [hbm4b:s4+s17], $0x80, s17, s17, $0xb8;
	[tilespmem:$0x1EA00] =	vst v63  }
0x25: {  	_ = 	snop  }
0x26: {  	[tilespmem:s20], [sflag:$0x3] =	stream.linear.gather [hbm4b:s0+s3], $0x100, $0x38;
	[tilespmem:$0x1EA00] =	vst v63  }
0x27: {  	_ =	swait.ge [sflag:s15], $0x100  }
0x28: {  	[sflag:s15] =	ssyncset.done $0x0  }
0x29: {  	[sflag:s15] =	ssyncadd.s32 $0xFFFFFF00  }
0x2a: {  	_ =	swait.ge [sflag:s21], $0x4000  }
0x2b: {  	[sflag:s21] =	ssyncset.done $0x0  }
0x2c: {  	s13 =	simm.s32 $0x200;
	[sflag:s21] =	ssyncadd.s32 $0xFFFFC000  }
0x2d: {  	[spmem:s1] =	stream.indirect.scatter.add.f32 [tilespmem:s18], [sflag:$0x3], $0x80, s13, s17, $0xb8;
	[tilespmem:$0x1EA00] =	vst v63  }
0x2e: {  	_ =	swait.ge [sflag:s15], $0x4000  }
0x2f: {  	[sflag:s15] =	ssyncset.done $0x0  }
0x30: {  	[sflag:s15] =	ssyncadd.s32 $0xFFFFC000  }
0x31: {  	[tilespmem:s18], [sflag:$0x1] =	stream.indirect.gather [hbm4b:s4+s17], $0x80, s20, s17, $0xb8;
	[tilespmem:$0x1EA00] =	vst v63  }
0x32: {  	_ =	swait.ge [sflag:s22], $0x4000  }
0x33: {  	[sflag:s22] =	ssyncset.done $0x0  }
0x34: {  	s16 =	simm.s32 $0x280;
	[sflag:s22] =	ssyncadd.s32 $0xFFFFC000  }
0x35: {  	[spmem:s1] =	stream.indirect.scatter.add.f32 [tilespmem:s19], [sflag:$0x3], $0x80, s16, s17, $0xb8;
	[tilespmem:$0x1EA00] =	vst v63  }
0x36: {  	_ =	swait.ge [sflag:s15], $0x4000  }
0x37: {  	[sflag:s15] =	ssyncset.done $0x0  }
0x38: {  	[sflag:s15] =	ssyncadd.s32 $0xFFFFC000  }
0x39: {  	[tilespmem:s19], [sflag:$0x2] =	stream.indirect.gather [hbm4b:s4+s17], $0x80, s23, s17, $0xb8;
	[tilespmem:$0x1EA00] =	vst v63  }
0x3a: {  	_ = 	snop  }
0x3b: {  	[tilespmem:s3], [sflag:$0x3] =	stream.linear.gather [hbm4b:s12+s3], $0x100, $0x38;
	[tilespmem:$0x1EA00] =	vst v63  }
0x3c: {  	_ =	swait.ge [sflag:s15], $0x100  }
0x3d: {  	[sflag:s15] =	ssyncset.done $0x0  }
0x3e: {  	[sflag:s15] =	ssyncadd.s32 $0xFFFFFF00  }
0x3f: {  	_ =	swait.ge [sflag:s21], $0x4000  }
0x40: {  	[sflag:s21] =	ssyncset.done $0x0  }
0x41: {  	s2 =	simm.s32 $0x300;
	[sflag:s21] =	ssyncadd.s32 $0xFFFFC000  }
0x42: {  	[spmem:s1] =	stream.indirect.scatter.add.f32 [tilespmem:s18], [sflag:$0x3], $0x80, s2, s17, $0xb8;
	[tilespmem:$0x1EA00] =	vst v63  }
0x43: {  	_ =	swait.ge [sflag:s15], $0x4000  }
0x44: {  	[sflag:s15] =	ssyncset.done $0x0  }
0x45: {  	[sflag:s15] =	ssyncadd.s32 $0xFFFFC000  }
0x46: {  	_ =	swait.ge [sflag:s22], $0x4000  }
0x47: {  	[sflag:s22] =	ssyncset.done $0x0  }
0x48: {  	s16 =	simm.s32 $0x380;
	[sflag:s22] =	ssyncadd.s32 $0xFFFFC000  }
0x49: {  	[spmem:s1] =	stream.indirect.scatter.add.f32 [tilespmem:s19], [sflag:$0x3], $0x80, s16, s17, $0xb8;
	[tilespmem:$0x1EA00] =	vst v63  }
0x4a: {  	s30 =	simm.s32 $0x800;
	_ =	swait.ge [sflag:s15], $0x4000  }
0x4b: {  	s31 =	smov.u32 s12;
	s13 =	smov.u32 s0;
	[sflag:s15] =	ssyncset.done $0x0  }
.LBB2_2:
0x4c: {  	[sflag:s15] =	ssyncadd.s32 $0xFFFFC000;
	s31 =	sadd.s32 $0x40, s31;
	s13 =	sadd.s32 $0x40, s13  }
0x4d: {  	[tilespmem:s18], [sflag:$0x1] =	stream.indirect.gather [hbm4b:s4+s17], $0x80, s3, s17, $0xb8;
	[tilespmem:$0x1EA00] =	vst v63  }
0x4e: {  	p0 =	sne.s32 s30, $0x9000;
	s2 =	smov.u32 s30;
	s30 =	sadd.s32 $0x800, s30  }
0x4f: {  	[tilespmem:s19], [sflag:$0x2] =	stream.indirect.gather [hbm4b:s4+s17], $0x80, s17, s17, $0xb8;
	[tilespmem:$0x1EA00] =	vst v63  }
0x50: {  	_ = 	snop  }
0x51: {  	[tilespmem:s20], [sflag:$0x3] =	stream.linear.gather [hbm4b:s13+s3], $0x100, $0x38;
	[tilespmem:$0x1EA00] =	vst v63  }
0x52: {  	_ =	swait.ge [sflag:s15], $0x100  }
0x53: {  	[sflag:s15] =	ssyncset.done $0x0  }
0x54: {  	[sflag:s15] =	ssyncadd.s32 $0xFFFFFF00  }
0x55: {  	_ =	swait.ge [sflag:s21], $0x4000  }
0x56: {  	s2 =	sshra.s32 s2, $0x2;
	[sflag:s21] =	ssyncset.done $0x0  }
0x57: {  	s16 =	sadd.s32 $0x200, s2;
	[sflag:s21] =	ssyncadd.s32 $0xFFFFC000  }
0x58: {  	[spmem:s1] =	stream.indirect.scatter.add.f32 [tilespmem:s18], [sflag:$0x3], $0x80, s16, s17, $0xb8;
	[tilespmem:$0x1EA00] =	vst v63  }
0x59: {  	_ =	swait.ge [sflag:s15], $0x4000  }
0x5a: {  	[sflag:s15] =	ssyncset.done $0x0  }
0x5b: {  	[sflag:s15] =	ssyncadd.s32 $0xFFFFC000  }
0x5c: {  	[tilespmem:s18], [sflag:$0x1] =	stream.indirect.gather [hbm4b:s4+s17], $0x80, s20, s17, $0xb8;
	[tilespmem:$0x1EA00] =	vst v63  }
0x5d: {  	_ =	swait.ge [sflag:s22], $0x4000  }
0x5e: {  	[sflag:s22] =	ssyncset.done $0x0  }
0x5f: {  	s16 =	sadd.s32 $0x280, s2;
	[sflag:s22] =	ssyncadd.s32 $0xFFFFC000  }
0x60: {  	[spmem:s1] =	stream.indirect.scatter.add.f32 [tilespmem:s19], [sflag:$0x3], $0x80, s16, s17, $0xb8;
	[tilespmem:$0x1EA00] =	vst v63  }
0x61: {  	_ =	swait.ge [sflag:s15], $0x4000  }
0x62: {  	[sflag:s15] =	ssyncset.done $0x0  }
0x63: {  	[sflag:s15] =	ssyncadd.s32 $0xFFFFC000  }
0x64: {  	[tilespmem:s19], [sflag:$0x2] =	stream.indirect.gather [hbm4b:s4+s17], $0x80, s23, s17, $0xb8;
	[tilespmem:$0x1EA00] =	vst v63  }
0x65: {  	_ = 	snop  }
0x66: {  	[tilespmem:s3], [sflag:$0x3] =	stream.linear.gather [hbm4b:s31+s3], $0x100, $0x38;
	[tilespmem:$0x1EA00] =	vst v63  }
0x67: {  	_ =	swait.ge [sflag:s15], $0x100  }
0x68: {  	[sflag:s15] =	ssyncset.done $0x0  }
0x69: {  	[sflag:s15] =	ssyncadd.s32 $0xFFFFFF00  }
0x6a: {  	_ =	swait.ge [sflag:s21], $0x4000  }
0x6b: {  	[sflag:s21] =	ssyncset.done $0x0  }
0x6c: {  	s16 =	sadd.s32 $0x300, s2;
	[sflag:s21] =	ssyncadd.s32 $0xFFFFC000  }
0x6d: {  	[spmem:s1] =	stream.indirect.scatter.add.f32 [tilespmem:s18], [sflag:$0x3], $0x80, s16, s17, $0xb8;
	[tilespmem:$0x1EA00] =	vst v63  }
0x6e: {  	_ =	swait.ge [sflag:s15], $0x4000  }
0x6f: {  	[sflag:s15] =	ssyncset.done $0x0  }
0x70: {  	[sflag:s15] =	ssyncadd.s32 $0xFFFFC000  }
0x71: {  	_ =	swait.ge [sflag:s22], $0x4000  }
.Ltmp0:
0x72: {  	[sflag:s22] =	ssyncset.done $0x0;
	(pc) =	sbr.rel @p0 .LBB2_2-.Ltmp0, $4  }
0x73: {  	s2 =	sadd.s32 $0x380, s2;
	[sflag:s22] =	ssyncadd.s32 $0xFFFFC000  }
0x74: {  	[spmem:s1] =	stream.indirect.scatter.add.f32 [tilespmem:s19], [sflag:$0x3], $0x80, s2, s17, $0xb8;
	[tilespmem:$0x1EA00] =	vst v63  }
0x75: {  	_ =	swait.ge [sflag:s15], $0x4000  }
0x76: {  	[sflag:s15] =	ssyncset.done $0x0  }
0x77: {  	[sflag:s15] =	ssyncadd.s32 $0xFFFFC000  }
0x78: {  	[tilespmem:s18], [sflag:$0x1] =	stream.indirect.gather [hbm4b:s4+s17], $0x80, s3, s17, $0xb8;
	[tilespmem:$0x1EA00] =	vst v63  }
0x79: {  	_ = 	snop  }
0x7a: {  	[tilespmem:s19], [sflag:$0x2] =	stream.indirect.gather [hbm4b:s4+s17], $0x80, s17, s17, $0xb8;
	[tilespmem:$0x1EA00] =	vst v63  }
0x7b: {  	_ = 	snop  }
0x7c: {  	[tilespmem:s20], [sflag:$0x3] =	stream.linear.gather [hbm4b:s10+s3], $0x100, $0x38;
	[tilespmem:$0x1EA00] =	vst v63  }
0x7d: {  	_ =	swait.ge [sflag:s15], $0x100  }
0x7e: {  	[sflag:s15] =	ssyncset.done $0x0  }
0x7f: {  	[sflag:s15] =	ssyncadd.s32 $0xFFFFFF00  }
0x80: {  	_ =	swait.ge [sflag:s21], $0x4000  }
0x81: {  	[sflag:s21] =	ssyncset.done $0x0  }
0x82: {  	[sflag:s21] =	ssyncadd.s32 $0xFFFFC000  }
0x83: {  	[spmem:s1] =	stream.indirect.scatter.add.f32 [tilespmem:s18], [sflag:$0x3], $0x80, s24, s17, $0xb8;
	[tilespmem:$0x1EA00] =	vst v63  }
0x84: {  	_ =	swait.ge [sflag:s15], $0x4000  }
0x85: {  	[sflag:s15] =	ssyncset.done $0x0  }
0x86: {  	[sflag:s15] =	ssyncadd.s32 $0xFFFFC000  }
0x87: {  	[tilespmem:s18], [sflag:$0x1] =	stream.indirect.gather [hbm4b:s4+s17], $0x80, s20, s17, $0xb8;
	[tilespmem:$0x1EA00] =	vst v63  }
0x88: {  	_ =	swait.ge [sflag:s22], $0x4000  }
0x89: {  	[sflag:s22] =	ssyncset.done $0x0  }
0x8a: {  	[sflag:s22] =	ssyncadd.s32 $0xFFFFC000  }
0x8b: {  	[spmem:s1] =	stream.indirect.scatter.add.f32 [tilespmem:s19], [sflag:$0x3], $0x80, s25, s17, $0xb8;
	[tilespmem:$0x1EA00] =	vst v63  }
0x8c: {  	_ =	swait.ge [sflag:s15], $0x4000  }
0x8d: {  	[sflag:s15] =	ssyncset.done $0x0  }
0x8e: {  	[sflag:s15] =	ssyncadd.s32 $0xFFFFC000  }
0x8f: {  	[tilespmem:s19], [sflag:$0x2] =	stream.indirect.gather [hbm4b:s4+s17], $0x80, s23, s17, $0xb8;
	[tilespmem:$0x1EA00] =	vst v63  }
0x90: {  	_ =	swait.ge [sflag:s21], $0x4000  }
0x91: {  	[sflag:s21] =	ssyncset.done $0x0  }
0x92: {  	[sflag:s21] =	ssyncadd.s32 $0xFFFFC000  }
0x93: {  	[spmem:s1] =	stream.indirect.scatter.add.f32 [tilespmem:s18], [sflag:$0x3], $0x80, s26, s17, $0xb8;
	[tilespmem:$0x1EA00] =	vst v63  }
0x94: {  	_ =	swait.ge [sflag:s15], $0x4000  }
0x95: {  	[sflag:s15] =	ssyncset.done $0x0  }
0x96: {  	[sflag:s15] =	ssyncadd.s32 $0xFFFFC000  }
0x97: {  	_ =	swait.ge [sflag:s22], $0x4000  }
0x98: {  	[sflag:s22] =	ssyncset.done $0x0  }
0x99: {  	[sflag:s22] =	ssyncadd.s32 $0xFFFFC000  }
0x9a: {  	[spmem:s1] =	stream.indirect.scatter.add.f32 [tilespmem:s19], [sflag:$0x3], $0x80, s28, s17, $0xb8;
	[tilespmem:$0x1EA00] =	vst v63  }
0x9b: {  	_ =	swait.ge [sflag:s15], $0x4000  }
0x9c: {  	s29 =	sadd.s32 $0x1, s29;
	[sflag:s15] =	ssyncset.done $0x0  }
0x9d: {  	p0 =	sne.s32 s29, s9;
	[sflag:s15] =	ssyncadd.s32 $0xFFFFC000  }
.Ltmp1:
0x9e: {  	[bflag:$0x0] =	sbarrier.arrive $0xFFFF;
	(pc) =	sbr.rel @p0 .LBB2_1-.Ltmp1, $4  }
0x9f: {  	[hbm:s11], [sflag:s6] =	dma.local [spmem:s14], $0x2800  }
0xa0: {  	_ =	swait.ge [sflag:s15], $0x2800  }
0xa1: {  	[sflag:s15] =	ssyncset.done $0x0  }
0xa2: {  	[sflag:s15] =	ssyncadd.s32 $0xFFFFD800  }
0xa3: {  	_ =	sfence.sel $0x180000  }
0xa4: {  	[bflag:$0x0] =	sbarrier.arrive $0xFFFF  }
0xa5: {  	_ =	strace $0x90000047  }
0xa6: {  	s0 =	stileid.u32;
	[bflag:$0x2] =	sbarrier.arrive $0xFFFF  }
0xa7: {  	p0 =	sne.s32 s0, $0x0;
	s0 =	rddreg [dreg:$0x3]  }
0xa8: {  	s0 =	sadd.s32 @!p0 $0x100000, s0  }
0xa9: {  	[sflag:s0] =	ssyncadd.tile.s32 @!p0 $0x1;
	_ =	shalt  }
.Lfunc_end2:
_tile_overlayer_lowered:
.L_overlay_start_2:
0xaa: {  	(tag) =	ssettag $0x2  }
0xab: {  	s0 =	rddreg [dreg:$0x0];
	s2 =	stileid.u32  }
0xac: {  	s1 =	rddreg [dreg:$0x1];
	p0 =	sne.s32 s2, $0x0  }
0xad: {  	s3 =	rddreg [dreg:$0x2];
	[bflag:$0x3] =	sbarrier.arrive $0xFFFF;
	s2 =	simm.s32 @!p0 $0x1C03  }
0xae: {  	[timem:s3], [sflag:s2] =	dma.local @!p0 [hbm:s0], s1  }
0xaf: {  	s0 =	simm.s32 @!p0 $0x3  }
0xb0: {  	_ =	swait.ge @!p0 [sflag:s0], s1  }
0xb1: {  	s1 =	ssub.s32 @!p0 $0x0, s1;
	[sflag:s0] =	ssyncset.done @!p0 $0x0  }
0xb2: {  	[sflag:s0] =	ssyncadd.s32 @!p0 s1  }
0xb3: {  	[bflag:$0x3] =	sbarrier.arrive $0xFFFF  }
0xb4: {  	_ =	shalt  }

</sc_bundles>
